<compile_context>
chip_gen: v7x
topology: tpu7x:2x2x1
jax: 0.10.2.dev20260603
libtpu: 0.0.44.dev20260713+nightly
codegen_flags: <defaults>
</compile_context>

<pallas_src>
import functools

import jax
import jax.numpy as jnp
from jax import lax
from jax.experimental import pallas as pl
from jax.experimental.pallas import tpu as pltpu
from jax.experimental.pallas import tpu_sc as plsc

MIN_POS = -1.2
MAX_POS = 0.6
MAX_SPEED = 0.07

N = 16384
NC = 2
NS = 16
NW = NC * NS
CHUNK = N // NW
LANES = 16
IDX_BLK = 128
NBLK = CHUNK // IDX_BLK
GRP_PER_BLK = IDX_BLK // LANES

_B0 = float(-MIN_POS)
_B1 = float(MAX_SPEED)
_M0 = float(1023.999 / (MAX_POS - MIN_POS))
_M1 = float(1023.999 / (2.0 * MAX_SPEED))

_mesh = plsc.VectorSubcoreMesh(core_axis_name="c", subcore_axis_name="s")


@functools.partial(
    pl.kernel,
    mesh=_mesh,
    out_type=jax.ShapeDtypeStruct((N,), jnp.float32),
    scratch_types=[
        pltpu.VMEM((CHUNK,), jnp.float32),
        pltpu.VMEM((CHUNK,), jnp.float32),
        pltpu.VMEM((1, CHUNK), jnp.int32),
        pltpu.VMEM((1, CHUNK), jnp.float32),
        pltpu.SemaphoreType.DMA,
        pltpu.SemaphoreType.DMA,
    ],
)
def _sc_lookup(inp_t_hbm, data_hbm, out_hbm, pos_v, vel_v, idx_v, out_v,
               sem_in, sem_g):
    wid = lax.axis_index("s") * NC + lax.axis_index("c")
    base = wid * CHUNK

    cp_p = pltpu.async_copy(inp_t_hbm.at[0, pl.ds(base, CHUNK)], pos_v, sem_in)
    cp_v = pltpu.async_copy(inp_t_hbm.at[1, pl.ds(base, CHUNK)], vel_v, sem_in)
    cp_p.wait()
    cp_v.wait()

    b0 = jnp.float32(_B0)
    b1 = jnp.float32(_B1)
    m0 = jnp.float32(_M0)
    m1 = jnp.float32(_M1)

    flat = data_hbm.at[0, pl.ds(0, IDX_BLK)]

    copies = []
    for j in range(NBLK):
        for g in range(j * GRP_PER_BLK, (j + 1) * GRP_PER_BLK):
            grp = pl.ds(g * LANES, LANES)
            pos = pos_v[grp]
            vel = vel_v[grp]
            r = ((pos + b0) * m0).astype(jnp.int32)
            c = ((vel + b1) * m1).astype(jnp.int32)
            idx_v[0, grp] = (
                ((r >> 3) << 13) + ((r & 7) << 7) + ((c >> 7) << 10) + (c & 127)
            )
        copies.append(
            pltpu.async_copy(
                flat.at[idx_v.at[0, pl.ds(j * IDX_BLK, IDX_BLK)]],
                out_v.at[0, pl.ds(j * IDX_BLK, IDX_BLK)],
                sem_g,
            )
        )
    for cp in copies:
        cp.wait()

    pltpu.sync_copy(out_v.at[0], out_hbm.at[pl.ds(base, CHUNK)])


def kernel(inp, data):
    return _sc_lookup(inp.T, data)

# --- scband reference (transcript-rebuilt; emitter-appended) ---
"""Pipeline reference for scband-lookup-policy-89627377533338 (READ-ONLY COPY).

The authoritative reference and input builder live on the scoring server;
editing this copy changes nothing except your own understanding.
"""

import jax, jax.numpy as jnp
import numpy as np

MIN_POS = -1.2
MAX_POS = 0.6
MAX_SPEED = 0.07


def setup_inputs(seed: int = 0) -> dict:
    key = jax.random.key(seed)
    k1, k2 = jax.random.split(key)
    # uniform [0,1) scaled into the valid MountainCar state ranges so indices land in [0, 1023]
    u = jax.random.uniform(k1, (16384, 2), dtype=jnp.float32)
    pos = u[:, 0] * (MAX_POS - MIN_POS) + MIN_POS
    vel = u[:, 1] * (2.0 * MAX_SPEED) - MAX_SPEED
    inp = jnp.stack([pos, vel], axis=-1)
    # learned/loaded lookup table (1024 x 1024), materialized randomly in lieu of torch.load
    data = jax.random.normal(k2, (1024, 1024), dtype=jnp.float32)
    return {"inp": inp, "data": data}


def reference(inp, data):
    b = jnp.array([-MIN_POS, MAX_SPEED], dtype=jnp.float32)
    m = jnp.array([1023.999 / (MAX_POS - MIN_POS), 1023.999 / (2.0 * MAX_SPEED)], dtype=jnp.float32)
    idc = ((inp + b) * m).astype(jnp.int32)
    # 2D gather from the lookup table (SparseCore-friendly gather)
    return data[idc[..., 0], idc[..., 1]]

if __name__ == "__main__":
    import jax
    _d = setup_inputs()
    print(jax.jit(kernel)(*tuple(_d.values())))

</pallas_src>

<mosaic_0001>
#map = affine_map<(d0, d1) -> (0, 0)>
#map1 = affine_map<(d0, d1) -> (0)>
module attributes {stable_mosaic.version = 14 : i64} {
  func.func @_sc_lookup(%arg0: i32, %arg1: i32, %arg2: memref<2x16384xf32, #tpu.memory_space<hbm>>, %arg3: memref<1024x1024xf32, #tpu.memory_space<hbm>>, %arg4: memref<16384xf32, #tpu.memory_space<hbm>>, %arg5: memref<512xf32, #tpu.memory_space<vmem>>, %arg6: memref<512xf32, #tpu.memory_space<vmem>>, %arg7: memref<1x512xi32, #tpu.memory_space<vmem>>, %arg8: memref<1x512xf32, #tpu.memory_space<vmem>>, %arg9: memref<!tpu.dma_semaphore, #tpu.memory_space<semaphore_mem>>, %arg10: memref<!tpu.dma_semaphore, #tpu.memory_space<semaphore_mem>>) attributes {dimension_semantics = [#tpu.dimension_semantics<core_parallel>, #tpu.dimension_semantics<subcore_parallel>], iteration_bounds = array<i64: 2, 16>, scalar_prefetch = 0 : i64, scratch_operands = 6 : i64, tpu.core_type = #tpu.core_type<sc_vector_subcore>, window_params = [{transform_indices = #map}, {transform_indices = #map}, {transform_indices = #map1}]} {
    %mul3A = arith.constant 2 : i32
    %mul3A_0 = arith.muli %arg1, %mul3A : i32
    %add3A = arith.addi %mul3A_0, %arg0 : i32
    %mul3A_1 = arith.constant 512 : i32
    %mul3A_2 = arith.muli %add3A, %mul3A_1 : i32
    %dma_start3A = arith.constant 0 : i32
    %dma_start3A_3 = tpu.memref_slice %arg2[%dma_start3A, %mul3A_2] : memref<2x16384xf32, #tpu.memory_space<hbm>> -> memref<1x512xf32, #tpu.memory_space<hbm>>
    %dma_start3A_4 = tpu.memref_squeeze %dma_start3A_3 : memref<1x512xf32, #tpu.memory_space<hbm>> -> memref<512xf32, #tpu.memory_space<hbm>>
    %dma_start3A_5 = tpu.memref_slice %arg2[%dma_start3A, %mul3A_2] : memref<2x16384xf32, #tpu.memory_space<hbm>> -> memref<1x512xf32, #tpu.memory_space<hbm>>
    %dma_start3A_6 = tpu.memref_squeeze %dma_start3A_5 : memref<1x512xf32, #tpu.memory_space<hbm>> -> memref<512xf32, #tpu.memory_space<hbm>>
    tpu.enqueue_dma source(%dma_start3A_6 : memref<512xf32, #tpu.memory_space<hbm>>) target(%arg5 : memref<512xf32, #tpu.memory_space<vmem>>) target_semaphore(%arg9 : memref<!tpu.dma_semaphore, #tpu.memory_space<semaphore_mem>>)
    %dma_start3A_7 = arith.constant 1 : i32
    %dma_start3A_8 = tpu.memref_slice %arg2[%dma_start3A_7, %mul3A_2] : memref<2x16384xf32, #tpu.memory_space<hbm>> -> memref<1x512xf32, #tpu.memory_space<hbm>>
    %dma_start3A_9 = tpu.memref_squeeze %dma_start3A_8 : memref<1x512xf32, #tpu.memory_space<hbm>> -> memref<512xf32, #tpu.memory_space<hbm>>
    %dma_start3A_10 = tpu.memref_slice %arg2[%dma_start3A_7, %mul3A_2] : memref<2x16384xf32, #tpu.memory_space<hbm>> -> memref<1x512xf32, #tpu.memory_space<hbm>>
    %dma_start3A_11 = tpu.memref_squeeze %dma_start3A_10 : memref<1x512xf32, #tpu.memory_space<hbm>> -> memref<512xf32, #tpu.memory_space<hbm>>
    tpu.enqueue_dma source(%dma_start3A_11 : memref<512xf32, #tpu.memory_space<hbm>>) target(%arg6 : memref<512xf32, #tpu.memory_space<vmem>>) target_semaphore(%arg9 : memref<!tpu.dma_semaphore, #tpu.memory_space<semaphore_mem>>)
    %dma_wait3A = arith.constant 0 : i32
    %dma_wait3A_12 = tpu.memref_slice %arg2[%dma_wait3A, %mul3A_2] : memref<2x16384xf32, #tpu.memory_space<hbm>> -> memref<1x512xf32, #tpu.memory_space<hbm>>
    %dma_wait3A_13 = tpu.memref_squeeze %dma_wait3A_12 : memref<1x512xf32, #tpu.memory_space<hbm>> -> memref<512xf32, #tpu.memory_space<hbm>>
    %dma_wait3A_14 = tpu.memref_slice %arg2[%dma_wait3A, %mul3A_2] : memref<2x16384xf32, #tpu.memory_space<hbm>> -> memref<1x512xf32, #tpu.memory_space<hbm>>
    %dma_wait3A_15 = tpu.memref_squeeze %dma_wait3A_14 : memref<1x512xf32, #tpu.memory_space<hbm>> -> memref<512xf32, #tpu.memory_space<hbm>>
    tpu.wait_dma2 semaphore(%arg9 : memref<!tpu.dma_semaphore, #tpu.memory_space<semaphore_mem>>) src(%dma_wait3A_15 : memref<512xf32, #tpu.memory_space<hbm>>) dst(%arg5 : memref<512xf32, #tpu.memory_space<vmem>>)
    %dma_wait3A_16 = arith.constant 1 : i32
    %dma_wait3A_17 = tpu.memref_slice %arg2[%dma_wait3A_16, %mul3A_2] : memref<2x16384xf32, #tpu.memory_space<hbm>> -> memref<1x512xf32, #tpu.memory_space<hbm>>
    %dma_wait3A_18 = tpu.memref_squeeze %dma_wait3A_17 : memref<1x512xf32, #tpu.memory_space<hbm>> -> memref<512xf32, #tpu.memory_space<hbm>>
    %dma_wait3A_19 = tpu.memref_slice %arg2[%dma_wait3A_16, %mul3A_2] : memref<2x16384xf32, #tpu.memory_space<hbm>> -> memref<1x512xf32, #tpu.memory_space<hbm>>
    %dma_wait3A_20 = tpu.memref_squeeze %dma_wait3A_19 : memref<1x512xf32, #tpu.memory_space<hbm>> -> memref<512xf32, #tpu.memory_space<hbm>>
    tpu.wait_dma2 semaphore(%arg9 : memref<!tpu.dma_semaphore, #tpu.memory_space<semaphore_mem>>) src(%dma_wait3A_20 : memref<512xf32, #tpu.memory_space<hbm>>) dst(%arg6 : memref<512xf32, #tpu.memory_space<vmem>>)
    %get3A = arith.constant 0 : index
    %get3A_21 = tpu.vector_load %arg5[%get3A] {strides = array<i32>} : memref<512xf32, #tpu.memory_space<vmem>>, vector<16xf32>,
    %get3A_22 = vector.shape_cast %get3A_21 : vector<16xf32> to vector<16xf32>
    %get3A_23 = arith.constant 0 : index
    %get3A_24 = tpu.vector_load %arg6[%get3A_23] {strides = array<i32>} : memref<512xf32, #tpu.memory_space<vmem>>, vector<16xf32>,
    %get3A_25 = vector.shape_cast %get3A_24 : vector<16xf32> to vector<16xf32>
    %add3A_26 = arith.constant 1.200000e+00 : f32
    %add3A_27 = vector.broadcast %add3A_26 : f32 to vector<16xf32>
    %add3A_28 = arith.addf %get3A_22, %add3A_27 : vector<16xf32>
    %mul3A_29 = arith.constant 568.888306 : f32
    %mul3A_30 = vector.broadcast %mul3A_29 : f32 to vector<16xf32>
    %mul3A_31 = arith.mulf %add3A_28, %mul3A_30 : vector<16xf32>
    %convert_element_type3A = arith.fptosi %mul3A_31 : vector<16xf32> to vector<16xi32>
    %add3A_32 = arith.constant 7.000000e-02 : f32
    %add3A_33 = vector.broadcast %add3A_32 : f32 to vector<16xf32>
    %add3A_34 = arith.addf %get3A_25, %add3A_33 : vector<16xf32>
    %mul3A_35 = arith.constant 7314.2788 : f32
    %mul3A_36 = vector.broadcast %mul3A_35 : f32 to vector<16xf32>
    %mul3A_37 = arith.mulf %add3A_34, %mul3A_36 : vector<16xf32>
    %convert_element_type3A_38 = arith.fptosi %mul3A_37 : vector<16xf32> to vector<16xi32>
    %shift_right_arithmetic3A = arith.constant 3 : i32
    %shift_right_arithmetic3A_39 = vector.broadcast %shift_right_arithmetic3A : i32 to vector<16xi32>
    %shift_right_arithmetic3A_40 = arith.shrsi %convert_element_type3A, %shift_right_arithmetic3A_39 : vector<16xi32>
    %shift_left3A = arith.constant 13 : i32
    %shift_left3A_41 = vector.broadcast %shift_left3A : i32 to vector<16xi32>
    %shift_left3A_42 = arith.shli %shift_right_arithmetic3A_40, %shift_left3A_41 : vector<16xi32>
    %and3A = arith.constant 7 : i32
    %and3A_43 = vector.broadcast %and3A : i32 to vector<16xi32>
    %and3A_44 = arith.andi %convert_element_type3A, %and3A_43 : vector<16xi32>
    %shift_left3A_45 = arith.constant 7 : i32
    %shift_left3A_46 = vector.broadcast %shift_left3A_45 : i32 to vector<16xi32>
    %shift_left3A_47 = arith.shli %and3A_44, %shift_left3A_46 : vector<16xi32>
    %add3A_48 = arith.addi %shift_left3A_42, %shift_left3A_47 : vector<16xi32>
    %shift_right_arithmetic3A_49 = arith.constant 7 : i32
    %shift_right_arithmetic3A_50 = vector.broadcast %shift_right_arithmetic3A_49 : i32 to vector<16xi32>
    %shift_right_arithmetic3A_51 = arith.shrsi %convert_element_type3A_38, %shift_right_arithmetic3A_50 : vector<16xi32>
    %shift_left3A_52 = arith.constant 10 : i32
    %shift_left3A_53 = vector.broadcast %shift_left3A_52 : i32 to vector<16xi32>
    %shift_left3A_54 = arith.shli %shift_right_arithmetic3A_51, %shift_left3A_53 : vector<16xi32>
    %add3A_55 = arith.addi %add3A_48, %shift_left3A_54 : vector<16xi32>
    %and3A_56 = arith.constant 127 : i32
    %and3A_57 = vector.broadcast %and3A_56 : i32 to vector<16xi32>
    %and3A_58 = arith.andi %convert_element_type3A_38, %and3A_57 : vector<16xi32>
    %add3A_59 = arith.addi %add3A_55, %and3A_58 : vector<16xi32>
    %swap3A = arith.constant 0 : i32
    %swap3A_60 = arith.index_cast %swap3A : i32 to index
    %swap3A_61 = arith.constant 0 : index
    %swap3A_62 = tpu.vector_load %arg7[%swap3A_60, %swap3A_61] {strides = array<i32>} : memref<1x512xi32, #tpu.memory_space<vmem>>, vector<1x16xi32>,
    %swap3A_63 = vector.shape_cast %swap3A_62 : vector<1x16xi32> to vector<16xi32>
    %swap3A_64 = vector.shape_cast %add3A_59 : vector<16xi32> to vector<1x16xi32>
    tpu.vector_store %arg7[%swap3A_60, %swap3A_61], %swap3A_64 {strides = array<i32>} : memref<1x512xi32, #tpu.memory_space<vmem>>, vector<1x16xi32>,
    %get3A_65 = arith.constant 16 : index
    %get3A_66 = tpu.vector_load %arg5[%get3A_65] {strides = array<i32>} : memref<512xf32, #tpu.memory_space<vmem>>, vector<16xf32>,
    %get3A_67 = vector.shape_cast %get3A_66 : vector<16xf32> to vector<16xf32>
    %get3A_68 = arith.constant 16 : index
    %get3A_69 = tpu.vector_load %arg6[%get3A_68] {strides = array<i32>} : memref<512xf32, #tpu.memory_space<vmem>>, vector<16xf32>,
    %get3A_70 = vector.shape_cast %get3A_69 : vector<16xf32> to vector<16xf32>
    %add3A_71 = arith.constant 1.200000e+00 : f32
    %add3A_72 = vector.broadcast %add3A_71 : f32 to vector<16xf32>
    %add3A_73 = arith.addf %get3A_67, %add3A_72 : vector<16xf32>
    %mul3A_74 = arith.constant 568.888306 : f32
    %mul3A_75 = vector.broadcast %mul3A_74 : f32 to vector<16xf32>
    %mul3A_76 = arith.mulf %add3A_73, %mul3A_75 : vector<16xf32>
    %convert_element_type3A_77 = arith.fptosi %mul3A_76 : vector<16xf32> to vector<16xi32>
    %add3A_78 = arith.constant 7.000000e-02 : f32
    %add3A_79 = vector.broadcast %add3A_78 : f32 to vector<16xf32>
    %add3A_80 = arith.addf %get3A_70, %add3A_79 : vector<16xf32>
    %mul3A_81 = arith.constant 7314.2788 : f32
    %mul3A_82 = vector.broadcast %mul3A_81 : f32 to vector<16xf32>
    %mul3A_83 = arith.mulf %add3A_80, %mul3A_82 : vector<16xf32>
    %convert_element_type3A_84 = arith.fptosi %mul3A_83 : vector<16xf32> to vector<16xi32>
    %shift_right_arithmetic3A_85 = arith.constant 3 : i32
    %shift_right_arithmetic3A_86 = vector.broadcast %shift_right_arithmetic3A_85 : i32 to vector<16xi32>
    %shift_right_arithmetic3A_87 = arith.shrsi %convert_element_type3A_77, %shift_right_arithmetic3A_86 : vector<16xi32>
    %shift_left3A_88 = arith.constant 13 : i32
    %shift_left3A_89 = vector.broadcast %shift_left3A_88 : i32 to vector<16xi32>
    %shift_left3A_90 = arith.shli %shift_right_arithmetic3A_87, %shift_left3A_89 : vector<16xi32>
    %and3A_91 = arith.constant 7 : i32
    %and3A_92 = vector.broadcast %and3A_91 : i32 to vector<16xi32>
    %and3A_93 = arith.andi %convert_element_type3A_77, %and3A_92 : vector<16xi32>
    %shift_left3A_94 = arith.constant 7 : i32
    %shift_left3A_95 = vector.broadcast %shift_left3A_94 : i32 to vector<16xi32>
    %shift_left3A_96 = arith.shli %and3A_93, %shift_left3A_95 : vector<16xi32>
    %add3A_97 = arith.addi %shift_left3A_90, %shift_left3A_96 : vector<16xi32>
    %shift_right_arithmetic3A_98 = arith.constant 7 : i32
    %shift_right_arithmetic3A_99 = vector.broadcast %shift_right_arithmetic3A_98 : i32 to vector<16xi32>
    %shift_right_arithmetic3A_100 = arith.shrsi %convert_element_type3A_84, %shift_right_arithmetic3A_99 : vector<16xi32>
    %shift_left3A_101 = arith.constant 10 : i32
    %shift_left3A_102 = vector.broadcast %shift_left3A_101 : i32 to vector<16xi32>
    %shift_left3A_103 = arith.shli %shift_right_arithmetic3A_100, %shift_left3A_102 : vector<16xi32>
    %add3A_104 = arith.addi %add3A_97, %shift_left3A_103 : vector<16xi32>
    %and3A_105 = arith.constant 127 : i32
    %and3A_106 = vector.broadcast %and3A_105 : i32 to vector<16xi32>
    %and3A_107 = arith.andi %convert_element_type3A_84, %and3A_106 : vector<16xi32>
    %add3A_108 = arith.addi %add3A_104, %and3A_107 : vector<16xi32>
    %swap3A_109 = arith.constant 0 : i32
    %swap3A_110 = arith.index_cast %swap3A_109 : i32 to index
    %swap3A_111 = arith.constant 16 : index
    %swap3A_112 = tpu.vector_load %arg7[%swap3A_110, %swap3A_111] {strides = array<i32>} : memref<1x512xi32, #tpu.memory_space<vmem>>, vector<1x16xi32>,
    %swap3A_113 = vector.shape_cast %swap3A_112 : vector<1x16xi32> to vector<16xi32>
    %swap3A_114 = vector.shape_cast %add3A_108 : vector<16xi32> to vector<1x16xi32>
    tpu.vector_store %arg7[%swap3A_110, %swap3A_111], %swap3A_114 {strides = array<i32>} : memref<1x512xi32, #tpu.memory_space<vmem>>, vector<1x16xi32>,
    %get3A_115 = arith.constant 32 : index
    %get3A_116 = tpu.vector_load %arg5[%get3A_115] {strides = array<i32>} : memref<512xf32, #tpu.memory_space<vmem>>, vector<16xf32>,
    %get3A_117 = vector.shape_cast %get3A_116 : vector<16xf32> to vector<16xf32>
    %get3A_118 = arith.constant 32 : index
    %get3A_119 = tpu.vector_load %arg6[%get3A_118] {strides = array<i32>} : memref<512xf32, #tpu.memory_space<vmem>>, vector<16xf32>,
    %get3A_120 = vector.shape_cast %get3A_119 : vector<16xf32> to vector<16xf32>
    %add3A_121 = arith.constant 1.200000e+00 : f32
    %add3A_122 = vector.broadcast %add3A_121 : f32 to vector<16xf32>
    %add3A_123 = arith.addf %get3A_117, %add3A_122 : vector<16xf32>
    %mul3A_124 = arith.constant 568.888306 : f32
    %mul3A_125 = vector.broadcast %mul3A_124 : f32 to vector<16xf32>
    %mul3A_126 = arith.mulf %add3A_123, %mul3A_125 : vector<16xf32>
    %convert_element_type3A_127 = arith.fptosi %mul3A_126 : vector<16xf32> to vector<16xi32>
    %add3A_128 = arith.constant 7.000000e-02 : f32
    %add3A_129 = vector.broadcast %add3A_128 : f32 to vector<16xf32>
    %add3A_130 = arith.addf %get3A_120, %add3A_129 : vector<16xf32>
    %mul3A_131 = arith.constant 7314.2788 : f32
    %mul3A_132 = vector.broadcast %mul3A_131 : f32 to vector<16xf32>
    %mul3A_133 = arith.mulf %add3A_130, %mul3A_132 : vector<16xf32>
    %convert_element_type3A_134 = arith.fptosi %mul3A_133 : vector<16xf32> to vector<16xi32>
    %shift_right_arithmetic3A_135 = arith.constant 3 : i32
    %shift_right_arithmetic3A_136 = vector.broadcast %shift_right_arithmetic3A_135 : i32 to vector<16xi32>
    %shift_right_arithmetic3A_137 = arith.shrsi %convert_element_type3A_127, %shift_right_arithmetic3A_136 : vector<16xi32>
    %shift_left3A_138 = arith.constant 13 : i32
    %shift_left3A_139 = vector.broadcast %shift_left3A_138 : i32 to vector<16xi32>
    %shift_left3A_140 = arith.shli %shift_right_arithmetic3A_137, %shift_left3A_139 : vector<16xi32>
    %and3A_141 = arith.constant 7 : i32
    %and3A_142 = vector.broadcast %and3A_141 : i32 to vector<16xi32>
    %and3A_143 = arith.andi %convert_element_type3A_127, %and3A_142 : vector<16xi32>
    %shift_left3A_144 = arith.constant 7 : i32
    %shift_left3A_145 = vector.broadcast %shift_left3A_144 : i32 to vector<16xi32>
    %shift_left3A_146 = arith.shli %and3A_143, %shift_left3A_145 : vector<16xi32>
    %add3A_147 = arith.addi %shift_left3A_140, %shift_left3A_146 : vector<16xi32>
    %shift_right_arithmetic3A_148 = arith.constant 7 : i32
    %shift_right_arithmetic3A_149 = vector.broadcast %shift_right_arithmetic3A_148 : i32 to vector<16xi32>
    %shift_right_arithmetic3A_150 = arith.shrsi %convert_element_type3A_134, %shift_right_arithmetic3A_149 : vector<16xi32>
    %shift_left3A_151 = arith.constant 10 : i32
    %shift_left3A_152 = vector.broadcast %shift_left3A_151 : i32 to vector<16xi32>
    %shift_left3A_153 = arith.shli %shift_right_arithmetic3A_150, %shift_left3A_152 : vector<16xi32>
    %add3A_154 = arith.addi %add3A_147, %shift_left3A_153 : vector<16xi32>
    %and3A_155 = arith.constant 127 : i32
    %and3A_156 = vector.broadcast %and3A_155 : i32 to vector<16xi32>
    %and3A_157 = arith.andi %convert_element_type3A_134, %and3A_156 : vector<16xi32>
    %add3A_158 = arith.addi %add3A_154, %and3A_157 : vector<16xi32>
    %swap3A_159 = arith.constant 0 : i32
    %swap3A_160 = arith.index_cast %swap3A_159 : i32 to index
    %swap3A_161 = arith.constant 32 : index
    %swap3A_162 = tpu.vector_load %arg7[%swap3A_160, %swap3A_161] {strides = array<i32>} : memref<1x512xi32, #tpu.memory_space<vmem>>, vector<1x16xi32>,
    %swap3A_163 = vector.shape_cast %swap3A_162 : vector<1x16xi32> to vector<16xi32>
    %swap3A_164 = vector.shape_cast %add3A_158 : vector<16xi32> to vector<1x16xi32>
    tpu.vector_store %arg7[%swap3A_160, %swap3A_161], %swap3A_164 {strides = array<i32>} : memref<1x512xi32, #tpu.memory_space<vmem>>, vector<1x16xi32>,
    %get3A_165 = arith.constant 48 : index
    %get3A_166 = tpu.vector_load %arg5[%get3A_165] {strides = array<i32>} : memref<512xf32, #tpu.memory_space<vmem>>, vector<16xf32>,
    %get3A_167 = vector.shape_cast %get3A_166 : vector<16xf32> to vector<16xf32>
    %get3A_168 = arith.constant 48 : index
    %get3A_169 = tpu.vector_load %arg6[%get3A_168] {strides = array<i32>} : memref<512xf32, #tpu.memory_space<vmem>>, vector<16xf32>,
    %get3A_170 = vector.shape_cast %get3A_169 : vector<16xf32> to vector<16xf32>
    %add3A_171 = arith.constant 1.200000e+00 : f32
    %add3A_172 = vector.broadcast %add3A_171 : f32 to vector<16xf32>
    %add3A_173 = arith.addf %get3A_167, %add3A_172 : vector<16xf32>
    %mul3A_174 = arith.constant 568.888306 : f32
    %mul3A_175 = vector.broadcast %mul3A_174 : f32 to vector<16xf32>
    %mul3A_176 = arith.mulf %add3A_173, %mul3A_175 : vector<16xf32>
    %convert_element_type3A_177 = arith.fptosi %mul3A_176 : vector<16xf32> to vector<16xi32>
    %add3A_178 = arith.constant 7.000000e-02 : f32
    %add3A_179 = vector.broadcast %add3A_178 : f32 to vector<16xf32>
    %add3A_180 = arith.addf %get3A_170, %add3A_179 : vector<16xf32>
    %mul3A_181 = arith.constant 7314.2788 : f32
    %mul3A_182 = vector.broadcast %mul3A_181 : f32 to vector<16xf32>
    %mul3A_183 = arith.mulf %add3A_180, %mul3A_182 : vector<16xf32>
    %convert_element_type3A_184 = arith.fptosi %mul3A_183 : vector<16xf32> to vector<16xi32>
    %shift_right_arithmetic3A_185 = arith.constant 3 : i32
    %shift_right_arithmetic3A_186 = vector.broadcast %shift_right_arithmetic3A_185 : i32 to vector<16xi32>
    %shift_right_arithmetic3A_187 = arith.shrsi %convert_element_type3A_177, %shift_right_arithmetic3A_186 : vector<16xi32>
    %shift_left3A_188 = arith.constant 13 : i32
    %shift_left3A_189 = vector.broadcast %shift_left3A_188 : i32 to vector<16xi32>
    %shift_left3A_190 = arith.shli %shift_right_arithmetic3A_187, %shift_left3A_189 : vector<16xi32>
    %and3A_191 = arith.constant 7 : i32
    %and3A_192 = vector.broadcast %and3A_191 : i32 to vector<16xi32>
    %and3A_193 = arith.andi %convert_element_type3A_177, %and3A_192 : vector<16xi32>
    %shift_left3A_194 = arith.constant 7 : i32
    %shift_left3A_195 = vector.broadcast %shift_left3A_194 : i32 to vector<16xi32>
    %shift_left3A_196 = arith.shli %and3A_193, %shift_left3A_195 : vector<16xi32>
    %add3A_197 = arith.addi %shift_left3A_190, %shift_left3A_196 : vector<16xi32>
    %shift_right_arithmetic3A_198 = arith.constant 7 : i32
    %shift_right_arithmetic3A_199 = vector.broadcast %shift_right_arithmetic3A_198 : i32 to vector<16xi32>
    %shift_right_arithmetic3A_200 = arith.shrsi %convert_element_type3A_184, %shift_right_arithmetic3A_199 : vector<16xi32>
    %shift_left3A_201 = arith.constant 10 : i32
    %shift_left3A_202 = vector.broadcast %shift_left3A_201 : i32 to vector<16xi32>
    %shift_left3A_203 = arith.shli %shift_right_arithmetic3A_200, %shift_left3A_202 : vector<16xi32>
    %add3A_204 = arith.addi %add3A_197, %shift_left3A_203 : vector<16xi32>
    %and3A_205 = arith.constant 127 : i32
    %and3A_206 = vector.broadcast %and3A_205 : i32 to vector<16xi32>
    %and3A_207 = arith.andi %convert_element_type3A_184, %and3A_206 : vector<16xi32>
    %add3A_208 = arith.addi %add3A_204, %and3A_207 : vector<16xi32>
    %swap3A_209 = arith.constant 0 : i32
    %swap3A_210 = arith.index_cast %swap3A_209 : i32 to index
    %swap3A_211 = arith.constant 48 : index
    %swap3A_212 = tpu.vector_load %arg7[%swap3A_210, %swap3A_211] {strides = array<i32>} : memref<1x512xi32, #tpu.memory_space<vmem>>, vector<1x16xi32>,
    %swap3A_213 = vector.shape_cast %swap3A_212 : vector<1x16xi32> to vector<16xi32>
    %swap3A_214 = vector.shape_cast %add3A_208 : vector<16xi32> to vector<1x16xi32>
    tpu.vector_store %arg7[%swap3A_210, %swap3A_211], %swap3A_214 {strides = array<i32>} : memref<1x512xi32, #tpu.memory_space<vmem>>, vector<1x16xi32>,
    %get3A_215 = arith.constant 64 : index
    %get3A_216 = tpu.vector_load %arg5[%get3A_215] {strides = array<i32>} : memref<512xf32, #tpu.memory_space<vmem>>, vector<16xf32>,
    %get3A_217 = vector.shape_cast %get3A_216 : vector<16xf32> to vector<16xf32>
    %get3A_218 = arith.constant 64 : index
    %get3A_219 = tpu.vector_load %arg6[%get3A_218] {strides = array<i32>} : memref<512xf32, #tpu.memory_space<vmem>>, vector<16xf32>,
    %get3A_220 = vector.shape_cast %get3A_219 : vector<16xf32> to vector<16xf32>
    %add3A_221 = arith.constant 1.200000e+00 : f32
    %add3A_222 = vector.broadcast %add3A_221 : f32 to vector<16xf32>
    %add3A_223 = arith.addf %get3A_217, %add3A_222 : vector<16xf32>
    %mul3A_224 = arith.constant 568.888306 : f32
    %mul3A_225 = vector.broadcast %mul3A_224 : f32 to vector<16xf32>
    %mul3A_226 = arith.mulf %add3A_223, %mul3A_225 : vector<16xf32>
    %convert_element_type3A_227 = arith.fptosi %mul3A_226 : vector<16xf32> to vector<16xi32>
    %add3A_228 = arith.constant 7.000000e-02 : f32
    %add3A_229 = vector.broadcast %add3A_228 : f32 to vector<16xf32>
    %add3A_230 = arith.addf %get3A_220, %add3A_229 : vector<16xf32>
    %mul3A_231 = arith.constant 7314.2788 : f32
    %mul3A_232 = vector.broadcast %mul3A_231 : f32 to vector<16xf32>
    %mul3A_233 = arith.mulf %add3A_230, %mul3A_232 : vector<16xf32>
    %convert_element_type3A_234 = arith.fptosi %mul3A_233 : vector<16xf32> to vector<16xi32>
    %shift_right_arithmetic3A_235 = arith.constant 3 : i32
    %shift_right_arithmetic3A_236 = vector.broadcast %shift_right_arithmetic3A_235 : i32 to vector<16xi32>
    %shift_right_arithmetic3A_237 = arith.shrsi %convert_element_type3A_227, %shift_right_arithmetic3A_236 : vector<16xi32>
    %shift_left3A_238 = arith.constant 13 : i32
    %shift_left3A_239 = vector.broadcast %shift_left3A_238 : i32 to vector<16xi32>
    %shift_left3A_240 = arith.shli %shift_right_arithmetic3A_237, %shift_left3A_239 : vector<16xi32>
    %and3A_241 = arith.constant 7 : i32
    %and3A_242 = vector.broadcast %and3A_241 : i32 to vector<16xi32>
    %and3A_243 = arith.andi %convert_element_type3A_227, %and3A_242 : vector<16xi32>
    %shift_left3A_244 = arith.constant 7 : i32
    %shift_left3A_245 = vector.broadcast %shift_left3A_244 : i32 to vector<16xi32>
    %shift_left3A_246 = arith.shli %and3A_243, %shift_left3A_245 : vector<16xi32>
    %add3A_247 = arith.addi %shift_left3A_240, %shift_left3A_246 : vector<16xi32>
    %shift_right_arithmetic3A_248 = arith.constant 7 : i32
    %shift_right_arithmetic3A_249 = vector.broadcast %shift_right_arithmetic3A_248 : i32 to vector<16xi32>
    %shift_right_arithmetic3A_250 = arith.shrsi %convert_element_type3A_234, %shift_right_arithmetic3A_249 : vector<16xi32>
    %shift_left3A_251 = arith.constant 10 : i32
    %shift_left3A_252 = vector.broadcast %shift_left3A_251 : i32 to vector<16xi32>
    %shift_left3A_253 = arith.shli %shift_right_arithmetic3A_250, %shift_left3A_252 : vector<16xi32>
    %add3A_254 = arith.addi %add3A_247, %shift_left3A_253 : vector<16xi32>
    %and3A_255 = arith.constant 127 : i32
    %and3A_256 = vector.broadcast %and3A_255 : i32 to vector<16xi32>
    %and3A_257 = arith.andi %convert_element_type3A_234, %and3A_256 : vector<16xi32>
    %add3A_258 = arith.addi %add3A_254, %and3A_257 : vector<16xi32>
    %swap3A_259 = arith.constant 0 : i32
    %swap3A_260 = arith.index_cast %swap3A_259 : i32 to index
    %swap3A_261 = arith.constant 64 : index
    %swap3A_262 = tpu.vector_load %arg7[%swap3A_260, %swap3A_261] {strides = array<i32>} : memref<1x512xi32, #tpu.memory_space<vmem>>, vector<1x16xi32>,
    %swap3A_263 = vector.shape_cast %swap3A_262 : vector<1x16xi32> to vector<16xi32>
    %swap3A_264 = vector.shape_cast %add3A_258 : vector<16xi32> to vector<1x16xi32>
    tpu.vector_store %arg7[%swap3A_260, %swap3A_261], %swap3A_264 {strides = array<i32>} : memref<1x512xi32, #tpu.memory_space<vmem>>, vector<1x16xi32>,
    %get3A_265 = arith.constant 80 : index
    %get3A_266 = tpu.vector_load %arg5[%get3A_265] {strides = array<i32>} : memref<512xf32, #tpu.memory_space<vmem>>, vector<16xf32>,
    %get3A_267 = vector.shape_cast %get3A_266 : vector<16xf32> to vector<16xf32>
    %get3A_268 = arith.constant 80 : index
    %get3A_269 = tpu.vector_load %arg6[%get3A_268] {strides = array<i32>} : memref<512xf32, #tpu.memory_space<vmem>>, vector<16xf32>,
    %get3A_270 = vector.shape_cast %get3A_269 : vector<16xf32> to vector<16xf32>
    %add3A_271 = arith.constant 1.200000e+00 : f32
    %add3A_272 = vector.broadcast %add3A_271 : f32 to vector<16xf32>
    %add3A_273 = arith.addf %get3A_267, %add3A_272 : vector<16xf32>
    %mul3A_274 = arith.constant 568.888306 : f32
    %mul3A_275 = vector.broadcast %mul3A_274 : f32 to vector<16xf32>
    %mul3A_276 = arith.mulf %add3A_273, %mul3A_275 : vector<16xf32>
    %convert_element_type3A_277 = arith.fptosi %mul3A_276 : vector<16xf32> to vector<16xi32>
    %add3A_278 = arith.constant 7.000000e-02 : f32
    %add3A_279 = vector.broadcast %add3A_278 : f32 to vector<16xf32>
    %add3A_280 = arith.addf %get3A_270, %add3A_279 : vector<16xf32>
    %mul3A_281 = arith.constant 7314.2788 : f32
    %mul3A_282 = vector.broadcast %mul3A_281 : f32 to vector<16xf32>
    %mul3A_283 = arith.mulf %add3A_280, %mul3A_282 : vector<16xf32>
    %convert_element_type3A_284 = arith.fptosi %mul3A_283 : vector<16xf32> to vector<16xi32>
    %shift_right_arithmetic3A_285 = arith.constant 3 : i32
    %shift_right_arithmetic3A_286 = vector.broadcast %shift_right_arithmetic3A_285 : i32 to vector<16xi32>
    %shift_right_arithmetic3A_287 = arith.shrsi %convert_element_type3A_277, %shift_right_arithmetic3A_286 : vector<16xi32>
    %shift_left3A_288 = arith.constant 13 : i32
    %shift_left3A_289 = vector.broadcast %shift_left3A_288 : i32 to vector<16xi32>
    %shift_left3A_290 = arith.shli %shift_right_arithmetic3A_287, %shift_left3A_289 : vector<16xi32>
    %and3A_291 = arith.constant 7 : i32
    %and3A_292 = vector.broadcast %and3A_291 : i32 to vector<16xi32>
    %and3A_293 = arith.andi %convert_element_type3A_277, %and3A_292 : vector<16xi32>
    %shift_left3A_294 = arith.constant 7 : i32
    %shift_left3A_295 = vector.broadcast %shift_left3A_294 : i32 to vector<16xi32>
    %shift_left3A_296 = arith.shli %and3A_293, %shift_left3A_295 : vector<16xi32>
    %add3A_297 = arith.addi %shift_left3A_290, %shift_left3A_296 : vector<16xi32>
    %shift_right_arithmetic3A_298 = arith.constant 7 : i32
    %shift_right_arithmetic3A_299 = vector.broadcast %shift_right_arithmetic3A_298 : i32 to vector<16xi32>
    %shift_right_arithmetic3A_300 = arith.shrsi %convert_element_type3A_284, %shift_right_arithmetic3A_299 : vector<16xi32>
    %shift_left3A_301 = arith.constant 10 : i32
    %shift_left3A_302 = vector.broadcast %shift_left3A_301 : i32 to vector<16xi32>
    %shift_left3A_303 = arith.shli %shift_right_arithmetic3A_300, %shift_left3A_302 : vector<16xi32>
    %add3A_304 = arith.addi %add3A_297, %shift_left3A_303 : vector<16xi32>
    %and3A_305 = arith.constant 127 : i32
    %and3A_306 = vector.broadcast %and3A_305 : i32 to vector<16xi32>
    %and3A_307 = arith.andi %convert_element_type3A_284, %and3A_306 : vector<16xi32>
    %add3A_308 = arith.addi %add3A_304, %and3A_307 : vector<16xi32>
    %swap3A_309 = arith.constant 0 : i32
    %swap3A_310 = arith.index_cast %swap3A_309 : i32 to index
    %swap3A_311 = arith.constant 80 : index
    %swap3A_312 = tpu.vector_load %arg7[%swap3A_310, %swap3A_311] {strides = array<i32>} : memref<1x512xi32, #tpu.memory_space<vmem>>, vector<1x16xi32>,
    %swap3A_313 = vector.shape_cast %swap3A_312 : vector<1x16xi32> to vector<16xi32>
    %swap3A_314 = vector.shape_cast %add3A_308 : vector<16xi32> to vector<1x16xi32>
    tpu.vector_store %arg7[%swap3A_310, %swap3A_311], %swap3A_314 {strides = array<i32>} : memref<1x512xi32, #tpu.memory_space<vmem>>, vector<1x16xi32>,
    %get3A_315 = arith.constant 96 : index
    %get3A_316 = tpu.vector_load %arg5[%get3A_315] {strides = array<i32>} : memref<512xf32, #tpu.memory_space<vmem>>, vector<16xf32>,
    %get3A_317 = vector.shape_cast %get3A_316 : vector<16xf32> to vector<16xf32>
    %get3A_318 = arith.constant 96 : index
    %get3A_319 = tpu.vector_load %arg6[%get3A_318] {strides = array<i32>} : memref<512xf32, #tpu.memory_space<vmem>>, vector<16xf32>,
    %get3A_320 = vector.shape_cast %get3A_319 : vector<16xf32> to vector<16xf32>
    %add3A_321 = arith.constant 1.200000e+00 : f32
    %add3A_322 = vector.broadcast %add3A_321 : f32 to vector<16xf32>
    %add3A_323 = arith.addf %get3A_317, %add3A_322 : vector<16xf32>
    %mul3A_324 = arith.constant 568.888306 : f32
    %mul3A_325 = vector.broadcast %mul3A_324 : f32 to vector<16xf32>
    %mul3A_326 = arith.mulf %add3A_323, %mul3A_325 : vector<16xf32>
    %convert_element_type3A_327 = arith.fptosi %mul3A_326 : vector<16xf32> to vector<16xi32>
    %add3A_328 = arith.constant 7.000000e-02 : f32
    %add3A_329 = vector.broadcast %add3A_328 : f32 to vector<16xf32>
    %add3A_330 = arith.addf %get3A_320, %add3A_329 : vector<16xf32>
    %mul3A_331 = arith.constant 7314.2788 : f32
    %mul3A_332 = vector.broadcast %mul3A_331 : f32 to vector<16xf32>
    %mul3A_333 = arith.mulf %add3A_330, %mul3A_332 : vector<16xf32>
    %convert_element_type3A_334 = arith.fptosi %mul3A_333 : vector<16xf32> to vector<16xi32>
    %shift_right_arithmetic3A_335 = arith.constant 3 : i32
    %shift_right_arithmetic3A_336 = vector.broadcast %shift_right_arithmetic3A_335 : i32 to vector<16xi32>
    %shift_right_arithmetic3A_337 = arith.shrsi %convert_element_type3A_327, %shift_right_arithmetic3A_336 : vector<16xi32>
    %shift_left3A_338 = arith.constant 13 : i32
    %shift_left3A_339 = vector.broadcast %shift_left3A_338 : i32 to vector<16xi32>
    %shift_left3A_340 = arith.shli %shift_right_arithmetic3A_337, %shift_left3A_339 : vector<16xi32>
    %and3A_341 = arith.constant 7 : i32
    %and3A_342 = vector.broadcast %and3A_341 : i32 to vector<16xi32>
    %and3A_343 = arith.andi %convert_element_type3A_327, %and3A_342 : vector<16xi32>
    %shift_left3A_344 = arith.constant 7 : i32
    %shift_left3A_345 = vector.broadcast %shift_left3A_344 : i32 to vector<16xi32>
    %shift_left3A_346 = arith.shli %and3A_343, %shift_left3A_345 : vector<16xi32>
    %add3A_347 = arith.addi %shift_left3A_340, %shift_left3A_346 : vector<16xi32>
    %shift_right_arithmetic3A_348 = arith.constant 7 : i32
    %shift_right_arithmetic3A_349 = vector.broadcast %shift_right_arithmetic3A_348 : i32 to vector<16xi32>
    %shift_right_arithmetic3A_350 = arith.shrsi %convert_element_type3A_334, %shift_right_arithmetic3A_349 : vector<16xi32>
    %shift_left3A_351 = arith.constant 10 : i32
    %shift_left3A_352 = vector.broadcast %shift_left3A_351 : i32 to vector<16xi32>
    %shift_left3A_353 = arith.shli %shift_right_arithmetic3A_350, %shift_left3A_352 : vector<16xi32>
    %add3A_354 = arith.addi %add3A_347, %shift_left3A_353 : vector<16xi32>
    %and3A_355 = arith.constant 127 : i32
    %and3A_356 = vector.broadcast %and3A_355 : i32 to vector<16xi32>
    %and3A_357 = arith.andi %convert_element_type3A_334, %and3A_356 : vector<16xi32>
    %add3A_358 = arith.addi %add3A_354, %and3A_357 : vector<16xi32>
    %swap3A_359 = arith.constant 0 : i32
    %swap3A_360 = arith.index_cast %swap3A_359 : i32 to index
    %swap3A_361 = arith.constant 96 : index
    %swap3A_362 = tpu.vector_load %arg7[%swap3A_360, %swap3A_361] {strides = array<i32>} : memref<1x512xi32, #tpu.memory_space<vmem>>, vector<1x16xi32>,
    %swap3A_363 = vector.shape_cast %swap3A_362 : vector<1x16xi32> to vector<16xi32>
    %swap3A_364 = vector.shape_cast %add3A_358 : vector<16xi32> to vector<1x16xi32>
    tpu.vector_store %arg7[%swap3A_360, %swap3A_361], %swap3A_364 {strides = array<i32>} : memref<1x512xi32, #tpu.memory_space<vmem>>, vector<1x16xi32>,
    %get3A_365 = arith.constant 112 : index
    %get3A_366 = tpu.vector_load %arg5[%get3A_365] {strides = array<i32>} : memref<512xf32, #tpu.memory_space<vmem>>, vector<16xf32>,
    %get3A_367 = vector.shape_cast %get3A_366 : vector<16xf32> to vector<16xf32>
    %get3A_368 = arith.constant 112 : index
    %get3A_369 = tpu.vector_load %arg6[%get3A_368] {strides = array<i32>} : memref<512xf32, #tpu.memory_space<vmem>>, vector<16xf32>,
    %get3A_370 = vector.shape_cast %get3A_369 : vector<16xf32> to vector<16xf32>
    %add3A_371 = arith.constant 1.200000e+00 : f32
    %add3A_372 = vector.broadcast %add3A_371 : f32 to vector<16xf32>
    %add3A_373 = arith.addf %get3A_367, %add3A_372 : vector<16xf32>
    %mul3A_374 = arith.constant 568.888306 : f32
    %mul3A_375 = vector.broadcast %mul3A_374 : f32 to vector<16xf32>
    %mul3A_376 = arith.mulf %add3A_373, %mul3A_375 : vector<16xf32>
    %convert_element_type3A_377 = arith.fptosi %mul3A_376 : vector<16xf32> to vector<16xi32>
    %add3A_378 = arith.constant 7.000000e-02 : f32
    %add3A_379 = vector.broadcast %add3A_378 : f32 to vector<16xf32>
    %add3A_380 = arith.addf %get3A_370, %add3A_379 : vector<16xf32>
    %mul3A_381 = arith.constant 7314.2788 : f32
    %mul3A_382 = vector.broadcast %mul3A_381 : f32 to vector<16xf32>
    %mul3A_383 = arith.mulf %add3A_380, %mul3A_382 : vector<16xf32>
    %convert_element_type3A_384 = arith.fptosi %mul3A_383 : vector<16xf32> to vector<16xi32>
    %shift_right_arithmetic3A_385 = arith.constant 3 : i32
    %shift_right_arithmetic3A_386 = vector.broadcast %shift_right_arithmetic3A_385 : i32 to vector<16xi32>
    %shift_right_arithmetic3A_387 = arith.shrsi %convert_element_type3A_377, %shift_right_arithmetic3A_386 : vector<16xi32>
    %shift_left3A_388 = arith.constant 13 : i32
    %shift_left3A_389 = vector.broadcast %shift_left3A_388 : i32 to vector<16xi32>
    %shift_left3A_390 = arith.shli %shift_right_arithmetic3A_387, %shift_left3A_389 : vector<16xi32>
    %and3A_391 = arith.constant 7 : i32
    %and3A_392 = vector.broadcast %and3A_391 : i32 to vector<16xi32>
    %and3A_393 = arith.andi %convert_element_type3A_377, %and3A_392 : vector<16xi32>
    %shift_left3A_394 = arith.constant 7 : i32
    %shift_left3A_395 = vector.broadcast %shift_left3A_394 : i32 to vector<16xi32>
    %shift_left3A_396 = arith.shli %and3A_393, %shift_left3A_395 : vector<16xi32>
    %add3A_397 = arith.addi %shift_left3A_390, %shift_left3A_396 : vector<16xi32>
    %shift_right_arithmetic3A_398 = arith.constant 7 : i32
    %shift_right_arithmetic3A_399 = vector.broadcast %shift_right_arithmetic3A_398 : i32 to vector<16xi32>
    %shift_right_arithmetic3A_400 = arith.shrsi %convert_element_type3A_384, %shift_right_arithmetic3A_399 : vector<16xi32>
    %shift_left3A_401 = arith.constant 10 : i32
    %shift_left3A_402 = vector.broadcast %shift_left3A_401 : i32 to vector<16xi32>
    %shift_left3A_403 = arith.shli %shift_right_arithmetic3A_400, %shift_left3A_402 : vector<16xi32>
    %add3A_404 = arith.addi %add3A_397, %shift_left3A_403 : vector<16xi32>
    %and3A_405 = arith.constant 127 : i32
    %and3A_406 = vector.broadcast %and3A_405 : i32 to vector<16xi32>
    %and3A_407 = arith.andi %convert_element_type3A_384, %and3A_406 : vector<16xi32>
    %add3A_408 = arith.addi %add3A_404, %and3A_407 : vector<16xi32>
    %swap3A_409 = arith.constant 0 : i32
    %swap3A_410 = arith.index_cast %swap3A_409 : i32 to index
    %swap3A_411 = arith.constant 112 : index
    %swap3A_412 = tpu.vector_load %arg7[%swap3A_410, %swap3A_411] {strides = array<i32>} : memref<1x512xi32, #tpu.memory_space<vmem>>, vector<1x16xi32>,
    %swap3A_413 = vector.shape_cast %swap3A_412 : vector<1x16xi32> to vector<16xi32>
    %swap3A_414 = vector.shape_cast %add3A_408 : vector<16xi32> to vector<1x16xi32>
    tpu.vector_store %arg7[%swap3A_410, %swap3A_411], %swap3A_414 {strides = array<i32>} : memref<1x512xi32, #tpu.memory_space<vmem>>, vector<1x16xi32>,
    %dma_start3A_415 = arith.constant 0 : i32
    %dma_start3A_416 = arith.constant 0 : i32
    %dma_start3A_417 = arith.constant 0 : i32
    %dma_start3A_418 = arith.constant 0 : i32
    %dma_start3A_419 = tpu.memref_slice %arg8[%dma_start3A_417, %dma_start3A_418] : memref<1x512xf32, #tpu.memory_space<vmem>> -> memref<1x128xf32, #tpu.memory_space<vmem>>
    %dma_start3A_420 = tpu.memref_squeeze %dma_start3A_419 : memref<1x128xf32, #tpu.memory_space<vmem>> -> memref<128xf32, #tpu.memory_space<vmem>>
    %dma_start3A_421 = arith.constant 0 : i32
    %dma_start3A_422 = tpu.memref_slice %arg7[%dma_start3A_416, %dma_start3A_421] : memref<1x512xi32, #tpu.memory_space<vmem>> -> memref<1x128xi32, #tpu.memory_space<vmem>>
    %dma_start3A_423 = tpu.memref_squeeze %dma_start3A_422 : memref<1x128xi32, #tpu.memory_space<vmem>> -> memref<128xi32, #tpu.memory_space<vmem>>
    %dma_start3A_424 = arith.constant 0 : i32
    %dma_start3A_425 = tpu.memref_slice %arg3[%dma_start3A_415, %dma_start3A_424] : memref<1024x1024xf32, #tpu.memory_space<hbm>> -> memref<1x128xf32, #tpu.memory_space<hbm>>
    %dma_start3A_426 = tpu.memref_squeeze %dma_start3A_425 : memref<1x128xf32, #tpu.memory_space<hbm>> -> memref<128xf32, #tpu.memory_space<hbm>>
    %dma_start3A_427 = arith.constant 0 : i32
    %dma_start3A_428 = tpu.memref_slice %dma_start3A_426[%dma_start3A_427] : memref<128xf32, #tpu.memory_space<hbm>> -> memref<128xf32, #tpu.memory_space<hbm>>
    tpu.enqueue_indirect_dma source(%dma_start3A_428 : memref<128xf32, #tpu.memory_space<hbm>>) target(%dma_start3A_420 : memref<128xf32, #tpu.memory_space<vmem>>) offsets(%dma_start3A_423 : memref<128xi32, #tpu.memory_space<vmem>>) semaphore(%arg10 : memref<!tpu.dma_semaphore, #tpu.memory_space<semaphore_mem>>)
    %get3A_429 = arith.constant 128 : index
    %get3A_430 = tpu.vector_load %arg5[%get3A_429] {strides = array<i32>} : memref<512xf32, #tpu.memory_space<vmem>>, vector<16xf32>,
    %get3A_431 = vector.shape_cast %get3A_430 : vector<16xf32> to vector<16xf32>
    %get3A_432 = arith.constant 128 : index
    %get3A_433 = tpu.vector_load %arg6[%get3A_432] {strides = array<i32>} : memref<512xf32, #tpu.memory_space<vmem>>, vector<16xf32>,
    %get3A_434 = vector.shape_cast %get3A_433 : vector<16xf32> to vector<16xf32>
    %add3A_435 = arith.constant 1.200000e+00 : f32
    %add3A_436 = vector.broadcast %add3A_435 : f32 to vector<16xf32>
    %add3A_437 = arith.addf %get3A_431, %add3A_436 : vector<16xf32>
    %mul3A_438 = arith.constant 568.888306 : f32
    %mul3A_439 = vector.broadcast %mul3A_438 : f32 to vector<16xf32>
    %mul3A_440 = arith.mulf %add3A_437, %mul3A_439 : vector<16xf32>
    %convert_element_type3A_441 = arith.fptosi %mul3A_440 : vector<16xf32> to vector<16xi32>
    %add3A_442 = arith.constant 7.000000e-02 : f32
    %add3A_443 = vector.broadcast %add3A_442 : f32 to vector<16xf32>
    %add3A_444 = arith.addf %get3A_434, %add3A_443 : vector<16xf32>
    %mul3A_445 = arith.constant 7314.2788 : f32
    %mul3A_446 = vector.broadcast %mul3A_445 : f32 to vector<16xf32>
    %mul3A_447 = arith.mulf %add3A_444, %mul3A_446 : vector<16xf32>
    %convert_element_type3A_448 = arith.fptosi %mul3A_447 : vector<16xf32> to vector<16xi32>
    %shift_right_arithmetic3A_449 = arith.constant 3 : i32
    %shift_right_arithmetic3A_450 = vector.broadcast %shift_right_arithmetic3A_449 : i32 to vector<16xi32>
    %shift_right_arithmetic3A_451 = arith.shrsi %convert_element_type3A_441, %shift_right_arithmetic3A_450 : vector<16xi32>
    %shift_left3A_452 = arith.constant 13 : i32
    %shift_left3A_453 = vector.broadcast %shift_left3A_452 : i32 to vector<16xi32>
    %shift_left3A_454 = arith.shli %shift_right_arithmetic3A_451, %shift_left3A_453 : vector<16xi32>
    %and3A_455 = arith.constant 7 : i32
    %and3A_456 = vector.broadcast %and3A_455 : i32 to vector<16xi32>
    %and3A_457 = arith.andi %convert_element_type3A_441, %and3A_456 : vector<16xi32>
    %shift_left3A_458 = arith.constant 7 : i32
    %shift_left3A_459 = vector.broadcast %shift_left3A_458 : i32 to vector<16xi32>
    %shift_left3A_460 = arith.shli %and3A_457, %shift_left3A_459 : vector<16xi32>
    %add3A_461 = arith.addi %shift_left3A_454, %shift_left3A_460 : vector<16xi32>
    %shift_right_arithmetic3A_462 = arith.constant 7 : i32
    %shift_right_arithmetic3A_463 = vector.broadcast %shift_right_arithmetic3A_462 : i32 to vector<16xi32>
    %shift_right_arithmetic3A_464 = arith.shrsi %convert_element_type3A_448, %shift_right_arithmetic3A_463 : vector<16xi32>
    %shift_left3A_465 = arith.constant 10 : i32
    %shift_left3A_466 = vector.broadcast %shift_left3A_465 : i32 to vector<16xi32>
    %shift_left3A_467 = arith.shli %shift_right_arithmetic3A_464, %shift_left3A_466 : vector<16xi32>
    %add3A_468 = arith.addi %add3A_461, %shift_left3A_467 : vector<16xi32>
    %and3A_469 = arith.constant 127 : i32
    %and3A_470 = vector.broadcast %and3A_469 : i32 to vector<16xi32>
    %and3A_471 = arith.andi %convert_element_type3A_448, %and3A_470 : vector<16xi32>
    %add3A_472 = arith.addi %add3A_468, %and3A_471 : vector<16xi32>
    %swap3A_473 = arith.constant 0 : i32
    %swap3A_474 = arith.index_cast %swap3A_473 : i32 to index
    %swap3A_475 = arith.constant 128 : index
    %swap3A_476 = tpu.vector_load %arg7[%swap3A_474, %swap3A_475] {strides = array<i32>} : memref<1x512xi32, #tpu.memory_space<vmem>>, vector<1x16xi32>,
    %swap3A_477 = vector.shape_cast %swap3A_476 : vector<1x16xi32> to vector<16xi32>
    %swap3A_478 = vector.shape_cast %add3A_472 : vector<16xi32> to vector<1x16xi32>
    tpu.vector_store %arg7[%swap3A_474, %swap3A_475], %swap3A_478 {strides = array<i32>} : memref<1x512xi32, #tpu.memory_space<vmem>>, vector<1x16xi32>,
    %get3A_479 = arith.constant 144 : index
    %get3A_480 = tpu.vector_load %arg5[%get3A_479] {strides = array<i32>} : memref<512xf32, #tpu.memory_space<vmem>>, vector<16xf32>,
    %get3A_481 = vector.shape_cast %get3A_480 : vector<16xf32> to vector<16xf32>
    %get3A_482 = arith.constant 144 : index
    %get3A_483 = tpu.vector_load %arg6[%get3A_482] {strides = array<i32>} : memref<512xf32, #tpu.memory_space<vmem>>, vector<16xf32>,
    %get3A_484 = vector.shape_cast %get3A_483 : vector<16xf32> to vector<16xf32>
    %add3A_485 = arith.constant 1.200000e+00 : f32
    %add3A_486 = vector.broadcast %add3A_485 : f32 to vector<16xf32>
    %add3A_487 = arith.addf %get3A_481, %add3A_486 : vector<16xf32>
    %mul3A_488 = arith.constant 568.888306 : f32
    %mul3A_489 = vector.broadcast %mul3A_488 : f32 to vector<16xf32>
    %mul3A_490 = arith.mulf %add3A_487, %mul3A_489 : vector<16xf32>
    %convert_element_type3A_491 = arith.fptosi %mul3A_490 : vector<16xf32> to vector<16xi32>
    %add3A_492 = arith.constant 7.000000e-02 : f32
    %add3A_493 = vector.broadcast %add3A_492 : f32 to vector<16xf32>
    %add3A_494 = arith.addf %get3A_484, %add3A_493 : vector<16xf32>
    %mul3A_495 = arith.constant 7314.2788 : f32
    %mul3A_496 = vector.broadcast %mul3A_495 : f32 to vector<16xf32>
    %mul3A_497 = arith.mulf %add3A_494, %mul3A_496 : vector<16xf32>
    %convert_element_type3A_498 = arith.fptosi %mul3A_497 : vector<16xf32> to vector<16xi32>
    %shift_right_arithmetic3A_499 = arith.constant 3 : i32
    %shift_right_arithmetic3A_500 = vector.broadcast %shift_right_arithmetic3A_499 : i32 to vector<16xi32>
    %shift_right_arithmetic3A_501 = arith.shrsi %convert_element_type3A_491, %shift_right_arithmetic3A_500 : vector<16xi32>
    %shift_left3A_502 = arith.constant 13 : i32
    %shift_left3A_503 = vector.broadcast %shift_left3A_502 : i32 to vector<16xi32>
    %shift_left3A_504 = arith.shli %shift_right_arithmetic3A_501, %shift_left3A_503 : vector<16xi32>
    %and3A_505 = arith.constant 7 : i32
    %and3A_506 = vector.broadcast %and3A_505 : i32 to vector<16xi32>
    %and3A_507 = arith.andi %convert_element_type3A_491, %and3A_506 : vector<16xi32>
    %shift_left3A_508 = arith.constant 7 : i32
    %shift_left3A_509 = vector.broadcast %shift_left3A_508 : i32 to vector<16xi32>
    %shift_left3A_510 = arith.shli %and3A_507, %shift_left3A_509 : vector<16xi32>
    %add3A_511 = arith.addi %shift_left3A_504, %shift_left3A_510 : vector<16xi32>
    %shift_right_arithmetic3A_512 = arith.constant 7 : i32
    %shift_right_arithmetic3A_513 = vector.broadcast %shift_right_arithmetic3A_512 : i32 to vector<16xi32>
    %shift_right_arithmetic3A_514 = arith.shrsi %convert_element_type3A_498, %shift_right_arithmetic3A_513 : vector<16xi32>
    %shift_left3A_515 = arith.constant 10 : i32
    %shift_left3A_516 = vector.broadcast %shift_left3A_515 : i32 to vector<16xi32>
    %shift_left3A_517 = arith.shli %shift_right_arithmetic3A_514, %shift_left3A_516 : vector<16xi32>
    %add3A_518 = arith.addi %add3A_511, %shift_left3A_517 : vector<16xi32>
    %and3A_519 = arith.constant 127 : i32
    %and3A_520 = vector.broadcast %and3A_519 : i32 to vector<16xi32>
    %and3A_521 = arith.andi %convert_element_type3A_498, %and3A_520 : vector<16xi32>
    %add3A_522 = arith.addi %add3A_518, %and3A_521 : vector<16xi32>
    %swap3A_523 = arith.constant 0 : i32
    %swap3A_524 = arith.index_cast %swap3A_523 : i32 to index
    %swap3A_525 = arith.constant 144 : index
    %swap3A_526 = tpu.vector_load %arg7[%swap3A_524, %swap3A_525] {strides = array<i32>} : memref<1x512xi32, #tpu.memory_space<vmem>>, vector<1x16xi32>,
    %swap3A_527 = vector.shape_cast %swap3A_526 : vector<1x16xi32> to vector<16xi32>
    %swap3A_528 = vector.shape_cast %add3A_522 : vector<16xi32> to vector<1x16xi32>
    tpu.vector_store %arg7[%swap3A_524, %swap3A_525], %swap3A_528 {strides = array<i32>} : memref<1x512xi32, #tpu.memory_space<vmem>>, vector<1x16xi32>,
    %get3A_529 = arith.constant 160 : index
    %get3A_530 = tpu.vector_load %arg5[%get3A_529] {strides = array<i32>} : memref<512xf32, #tpu.memory_space<vmem>>, vector<16xf32>,
    %get3A_531 = vector.shape_cast %get3A_530 : vector<16xf32> to vector<16xf32>
    %get3A_532 = arith.constant 160 : index
    %get3A_533 = tpu.vector_load %arg6[%get3A_532] {strides = array<i32>} : memref<512xf32, #tpu.memory_space<vmem>>, vector<16xf32>,
    %get3A_534 = vector.shape_cast %get3A_533 : vector<16xf32> to vector<16xf32>
    %add3A_535 = arith.constant 1.200000e+00 : f32
    %add3A_536 = vector.broadcast %add3A_535 : f32 to vector<16xf32>
    %add3A_537 = arith.addf %get3A_531, %add3A_536 : vector<16xf32>
    %mul3A_538 = arith.constant 568.888306 : f32
    %mul3A_539 = vector.broadcast %mul3A_538 : f32 to vector<16xf32>
    %mul3A_540 = arith.mulf %add3A_537, %mul3A_539 : vector<16xf32>
    %convert_element_type3A_541 = arith.fptosi %mul3A_540 : vector<16xf32> to vector<16xi32>
    %add3A_542 = arith.constant 7.000000e-02 : f32
    %add3A_543 = vector.broadcast %add3A_542 : f32 to vector<16xf32>
    %add3A_544 = arith.addf %get3A_534, %add3A_543 : vector<16xf32>
    %mul3A_545 = arith.constant 7314.2788 : f32
    %mul3A_546 = vector.broadcast %mul3A_545 : f32 to vector<16xf32>
    %mul3A_547 = arith.mulf %add3A_544, %mul3A_546 : vector<16xf32>
    %convert_element_type3A_548 = arith.fptosi %mul3A_547 : vector<16xf32> to vector<16xi32>
    %shift_right_arithmetic3A_549 = arith.constant 3 : i32
    %shift_right_arithmetic3A_550 = vector.broadcast %shift_right_arithmetic3A_549 : i32 to vector<16xi32>
    %shift_right_arithmetic3A_551 = arith.shrsi %convert_element_type3A_541, %shift_right_arithmetic3A_550 : vector<16xi32>
    %shift_left3A_552 = arith.constant 13 : i32
    %shift_left3A_553 = vector.broadcast %shift_left3A_552 : i32 to vector<16xi32>
    %shift_left3A_554 = arith.shli %shift_right_arithmetic3A_551, %shift_left3A_553 : vector<16xi32>
    %and3A_555 = arith.constant 7 : i32
    %and3A_556 = vector.broadcast %and3A_555 : i32 to vector<16xi32>
    %and3A_557 = arith.andi %convert_element_type3A_541, %and3A_556 : vector<16xi32>
    %shift_left3A_558 = arith.constant 7 : i32
    %shift_left3A_559 = vector.broadcast %shift_left3A_558 : i32 to vector<16xi32>
    %shift_left3A_560 = arith.shli %and3A_557, %shift_left3A_559 : vector<16xi32>
    %add3A_561 = arith.addi %shift_left3A_554, %shift_left3A_560 : vector<16xi32>
    %shift_right_arithmetic3A_562 = arith.constant 7 : i32
    %shift_right_arithmetic3A_563 = vector.broadcast %shift_right_arithmetic3A_562 : i32 to vector<16xi32>
    %shift_right_arithmetic3A_564 = arith.shrsi %convert_element_type3A_548, %shift_right_arithmetic3A_563 : vector<16xi32>
    %shift_left3A_565 = arith.constant 10 : i32
    %shift_left3A_566 = vector.broadcast %shift_left3A_565 : i32 to vector<16xi32>
    %shift_left3A_567 = arith.shli %shift_right_arithmetic3A_564, %shift_left3A_566 : vector<16xi32>
    %add3A_568 = arith.addi %add3A_561, %shift_left3A_567 : vector<16xi32>
    %and3A_569 = arith.constant 127 : i32
    %and3A_570 = vector.broadcast %and3A_569 : i32 to vector<16xi32>
    %and3A_571 = arith.andi %convert_element_type3A_548, %and3A_570 : vector<16xi32>
    %add3A_572 = arith.addi %add3A_568, %and3A_571 : vector<16xi32>
    %swap3A_573 = arith.constant 0 : i32
    %swap3A_574 = arith.index_cast %swap3A_573 : i32 to index
    %swap3A_575 = arith.constant 160 : index
    %swap3A_576 = tpu.vector_load %arg7[%swap3A_574, %swap3A_575] {strides = array<i32>} : memref<1x512xi32, #tpu.memory_space<vmem>>, vector<1x16xi32>,
    %swap3A_577 = vector.shape_cast %swap3A_576 : vector<1x16xi32> to vector<16xi32>
    %swap3A_578 = vector.shape_cast %add3A_572 : vector<16xi32> to vector<1x16xi32>
    tpu.vector_store %arg7[%swap3A_574, %swap3A_575], %swap3A_578 {strides = array<i32>} : memref<1x512xi32, #tpu.memory_space<vmem>>, vector<1x16xi32>,
    %get3A_579 = arith.constant 176 : index
    %get3A_580 = tpu.vector_load %arg5[%get3A_579] {strides = array<i32>} : memref<512xf32, #tpu.memory_space<vmem>>, vector<16xf32>,
    %get3A_581 = vector.shape_cast %get3A_580 : vector<16xf32> to vector<16xf32>
    %get3A_582 = arith.constant 176 : index
    %get3A_583 = tpu.vector_load %arg6[%get3A_582] {strides = array<i32>} : memref<512xf32, #tpu.memory_space<vmem>>, vector<16xf32>,
    %get3A_584 = vector.shape_cast %get3A_583 : vector<16xf32> to vector<16xf32>
    %add3A_585 = arith.constant 1.200000e+00 : f32
    %add3A_586 = vector.broadcast %add3A_585 : f32 to vector<16xf32>
    %add3A_587 = arith.addf %get3A_581, %add3A_586 : vector<16xf32>
    %mul3A_588 = arith.constant 568.888306 : f32
    %mul3A_589 = vector.broadcast %mul3A_588 : f32 to vector<16xf32>
    %mul3A_590 = arith.mulf %add3A_587, %mul3A_589 : vector<16xf32>
    %convert_element_type3A_591 = arith.fptosi %mul3A_590 : vector<16xf32> to vector<16xi32>
    %add3A_592 = arith.constant 7.000000e-02 : f32
    %add3A_593 = vector.broadcast %add3A_592 : f32 to vector<16xf32>
    %add3A_594 = arith.addf %get3A_584, %add3A_593 : vector<16xf32>
    %mul3A_595 = arith.constant 7314.2788 : f32
    %mul3A_596 = vector.broadcast %mul3A_595 : f32 to vector<16xf32>
    %mul3A_597 = arith.mulf %add3A_594, %mul3A_596 : vector<16xf32>
    %convert_element_type3A_598 = arith.fptosi %mul3A_597 : vector<16xf32> to vector<16xi32>
    %shift_right_arithmetic3A_599 = arith.constant 3 : i32
    %shift_right_arithmetic3A_600 = vector.broadcast %shift_right_arithmetic3A_599 : i32 to vector<16xi32>
    %shift_right_arithmetic3A_601 = arith.shrsi %convert_element_type3A_591, %shift_right_arithmetic3A_600 : vector<16xi32>
    %shift_left3A_602 = arith.constant 13 : i32
    %shift_left3A_603 = vector.broadcast %shift_left3A_602 : i32 to vector<16xi32>
    %shift_left3A_604 = arith.shli %shift_right_arithmetic3A_601, %shift_left3A_603 : vector<16xi32>
    %and3A_605 = arith.constant 7 : i32
    %and3A_606 = vector.broadcast %and3A_605 : i32 to vector<16xi32>
    %and3A_607 = arith.andi %convert_element_type3A_591, %and3A_606 : vector<16xi32>
    %shift_left3A_608 = arith.constant 7 : i32
    %shift_left3A_609 = vector.broadcast %shift_left3A_608 : i32 to vector<16xi32>
    %shift_left3A_610 = arith.shli %and3A_607, %shift_left3A_609 : vector<16xi32>
    %add3A_611 = arith.addi %shift_left3A_604, %shift_left3A_610 : vector<16xi32>
    %shift_right_arithmetic3A_612 = arith.constant 7 : i32
    %shift_right_arithmetic3A_613 = vector.broadcast %shift_right_arithmetic3A_612 : i32 to vector<16xi32>
    %shift_right_arithmetic3A_614 = arith.shrsi %convert_element_type3A_598, %shift_right_arithmetic3A_613 : vector<16xi32>
    %shift_left3A_615 = arith.constant 10 : i32
    %shift_left3A_616 = vector.broadcast %shift_left3A_615 : i32 to vector<16xi32>
    %shift_left3A_617 = arith.shli %shift_right_arithmetic3A_614, %shift_left3A_616 : vector<16xi32>
    %add3A_618 = arith.addi %add3A_611, %shift_left3A_617 : vector<16xi32>
    %and3A_619 = arith.constant 127 : i32
    %and3A_620 = vector.broadcast %and3A_619 : i32 to vector<16xi32>
    %and3A_621 = arith.andi %convert_element_type3A_598, %and3A_620 : vector<16xi32>
    %add3A_622 = arith.addi %add3A_618, %and3A_621 : vector<16xi32>
    %swap3A_623 = arith.constant 0 : i32
    %swap3A_624 = arith.index_cast %swap3A_623 : i32 to index
    %swap3A_625 = arith.constant 176 : index
    %swap3A_626 = tpu.vector_load %arg7[%swap3A_624, %swap3A_625] {strides = array<i32>} : memref<1x512xi32, #tpu.memory_space<vmem>>, vector<1x16xi32>,
    %swap3A_627 = vector.shape_cast %swap3A_626 : vector<1x16xi32> to vector<16xi32>
    %swap3A_628 = vector.shape_cast %add3A_622 : vector<16xi32> to vector<1x16xi32>
    tpu.vector_store %arg7[%swap3A_624, %swap3A_625], %swap3A_628 {strides = array<i32>} : memref<1x512xi32, #tpu.memory_space<vmem>>, vector<1x16xi32>,
    %get3A_629 = arith.constant 192 : index
    %get3A_630 = tpu.vector_load %arg5[%get3A_629] {strides = array<i32>} : memref<512xf32, #tpu.memory_space<vmem>>, vector<16xf32>,
    %get3A_631 = vector.shape_cast %get3A_630 : vector<16xf32> to vector<16xf32>
    %get3A_632 = arith.constant 192 : index
    %get3A_633 = tpu.vector_load %arg6[%get3A_632] {strides = array<i32>} : memref<512xf32, #tpu.memory_space<vmem>>, vector<16xf32>,
    %get3A_634 = vector.shape_cast %get3A_633 : vector<16xf32> to vector<16xf32>
    %add3A_635 = arith.constant 1.200000e+00 : f32
    %add3A_636 = vector.broadcast %add3A_635 : f32 to vector<16xf32>
    %add3A_637 = arith.addf %get3A_631, %add3A_636 : vector<16xf32>
    %mul3A_638 = arith.constant 568.888306 : f32
    %mul3A_639 = vector.broadcast %mul3A_638 : f32 to vector<16xf32>
    %mul3A_640 = arith.mulf %add3A_637, %mul3A_639 : vector<16xf32>
    %convert_element_type3A_641 = arith.fptosi %mul3A_640 : vector<16xf32> to vector<16xi32>
    %add3A_642 = arith.constant 7.000000e-02 : f32
    %add3A_643 = vector.broadcast %add3A_642 : f32 to vector<16xf32>
    %add3A_644 = arith.addf %get3A_634, %add3A_643 : vector<16xf32>
    %mul3A_645 = arith.constant 7314.2788 : f32
    %mul3A_646 = vector.broadcast %mul3A_645 : f32 to vector<16xf32>
    %mul3A_647 = arith.mulf %add3A_644, %mul3A_646 : vector<16xf32>
    %convert_element_type3A_648 = arith.fptosi %mul3A_647 : vector<16xf32> to vector<16xi32>
    %shift_right_arithmetic3A_649 = arith.constant 3 : i32
    %shift_right_arithmetic3A_650 = vector.broadcast %shift_right_arithmetic3A_649 : i32 to vector<16xi32>
    %shift_right_arithmetic3A_651 = arith.shrsi %convert_element_type3A_641, %shift_right_arithmetic3A_650 : vector<16xi32>
    %shift_left3A_652 = arith.constant 13 : i32
    %shift_left3A_653 = vector.broadcast %shift_left3A_652 : i32 to vector<16xi32>
    %shift_left3A_654 = arith.shli %shift_right_arithmetic3A_651, %shift_left3A_653 : vector<16xi32>
    %and3A_655 = arith.constant 7 : i32
    %and3A_656 = vector.broadcast %and3A_655 : i32 to vector<16xi32>
    %and3A_657 = arith.andi %convert_element_type3A_641, %and3A_656 : vector<16xi32>
    %shift_left3A_658 = arith.constant 7 : i32
    %shift_left3A_659 = vector.broadcast %shift_left3A_658 : i32 to vector<16xi32>
    %shift_left3A_660 = arith.shli %and3A_657, %shift_left3A_659 : vector<16xi32>
    %add3A_661 = arith.addi %shift_left3A_654, %shift_left3A_660 : vector<16xi32>
    %shift_right_arithmetic3A_662 = arith.constant 7 : i32
    %shift_right_arithmetic3A_663 = vector.broadcast %shift_right_arithmetic3A_662 : i32 to vector<16xi32>
    %shift_right_arithmetic3A_664 = arith.shrsi %convert_element_type3A_648, %shift_right_arithmetic3A_663 : vector<16xi32>
    %shift_left3A_665 = arith.constant 10 : i32
    %shift_left3A_666 = vector.broadcast %shift_left3A_665 : i32 to vector<16xi32>
    %shift_left3A_667 = arith.shli %shift_right_arithmetic3A_664, %shift_left3A_666 : vector<16xi32>
    %add3A_668 = arith.addi %add3A_661, %shift_left3A_667 : vector<16xi32>
    %and3A_669 = arith.constant 127 : i32
    %and3A_670 = vector.broadcast %and3A_669 : i32 to vector<16xi32>
    %and3A_671 = arith.andi %convert_element_type3A_648, %and3A_670 : vector<16xi32>
    %add3A_672 = arith.addi %add3A_668, %and3A_671 : vector<16xi32>
    %swap3A_673 = arith.constant 0 : i32
    %swap3A_674 = arith.index_cast %swap3A_673 : i32 to index
    %swap3A_675 = arith.constant 192 : index
    %swap3A_676 = tpu.vector_load %arg7[%swap3A_674, %swap3A_675] {strides = array<i32>} : memref<1x512xi32, #tpu.memory_space<vmem>>, vector<1x16xi32>,
    %swap3A_677 = vector.shape_cast %swap3A_676 : vector<1x16xi32> to vector<16xi32>
    %swap3A_678 = vector.shape_cast %add3A_672 : vector<16xi32> to vector<1x16xi32>
    tpu.vector_store %arg7[%swap3A_674, %swap3A_675], %swap3A_678 {strides = array<i32>} : memref<1x512xi32, #tpu.memory_space<vmem>>, vector<1x16xi32>,
    %get3A_679 = arith.constant 208 : index
    %get3A_680 = tpu.vector_load %arg5[%get3A_679] {strides = array<i32>} : memref<512xf32, #tpu.memory_space<vmem>>, vector<16xf32>,
    %get3A_681 = vector.shape_cast %get3A_680 : vector<16xf32> to vector<16xf32>
    %get3A_682 = arith.constant 208 : index
    %get3A_683 = tpu.vector_load %arg6[%get3A_682] {strides = array<i32>} : memref<512xf32, #tpu.memory_space<vmem>>, vector<16xf32>,
    %get3A_684 = vector.shape_cast %get3A_683 : vector<16xf32> to vector<16xf32>
    %add3A_685 = arith.constant 1.200000e+00 : f32
    %add3A_686 = vector.broadcast %add3A_685 : f32 to vector<16xf32>
    %add3A_687 = arith.addf %get3A_681, %add3A_686 : vector<16xf32>
    %mul3A_688 = arith.constant 568.888306 : f32
    %mul3A_689 = vector.broadcast %mul3A_688 : f32 to vector<16xf32>
    %mul3A_690 = arith.mulf %add3A_687, %mul3A_689 : vector<16xf32>
    %convert_element_type3A_691 = arith.fptosi %mul3A_690 : vector<16xf32> to vector<16xi32>
    %add3A_692 = arith.constant 7.000000e-02 : f32
    %add3A_693 = vector.broadcast %add3A_692 : f32 to vector<16xf32>
    %add3A_694 = arith.addf %get3A_684, %add3A_693 : vector<16xf32>
    %mul3A_695 = arith.constant 7314.2788 : f32
    %mul3A_696 = vector.broadcast %mul3A_695 : f32 to vector<16xf32>
    %mul3A_697 = arith.mulf %add3A_694, %mul3A_696 : vector<16xf32>
    %convert_element_type3A_698 = arith.fptosi %mul3A_697 : vector<16xf32> to vector<16xi32>
    %shift_right_arithmetic3A_699 = arith.constant 3 : i32
    %shift_right_arithmetic3A_700 = vector.broadcast %shift_right_arithmetic3A_699 : i32 to vector<16xi32>
    %shift_right_arithmetic3A_701 = arith.shrsi %convert_element_type3A_691, %shift_right_arithmetic3A_700 : vector<16xi32>
    %shift_left3A_702 = arith.constant 13 : i32
    %shift_left3A_703 = vector.broadcast %shift_left3A_702 : i32 to vector<16xi32>
    %shift_left3A_704 = arith.shli %shift_right_arithmetic3A_701, %shift_left3A_703 : vector<16xi32>
    %and3A_705 = arith.constant 7 : i32
    %and3A_706 = vector.broadcast %and3A_705 : i32 to vector<16xi32>
    %and3A_707 = arith.andi %convert_element_type3A_691, %and3A_706 : vector<16xi32>
    %shift_left3A_708 = arith.constant 7 : i32
    %shift_left3A_709 = vector.broadcast %shift_left3A_708 : i32 to vector<16xi32>
    %shift_left3A_710 = arith.shli %and3A_707, %shift_left3A_709 : vector<16xi32>
    %add3A_711 = arith.addi %shift_left3A_704, %shift_left3A_710 : vector<16xi32>
    %shift_right_arithmetic3A_712 = arith.constant 7 : i32
    %shift_right_arithmetic3A_713 = vector.broadcast %shift_right_arithmetic3A_712 : i32 to vector<16xi32>
    %shift_right_arithmetic3A_714 = arith.shrsi %convert_element_type3A_698, %shift_right_arithmetic3A_713 : vector<16xi32>
    %shift_left3A_715 = arith.constant 10 : i32
    %shift_left3A_716 = vector.broadcast %shift_left3A_715 : i32 to vector<16xi32>
    %shift_left3A_717 = arith.shli %shift_right_arithmetic3A_714, %shift_left3A_716 : vector<16xi32>
    %add3A_718 = arith.addi %add3A_711, %shift_left3A_717 : vector<16xi32>
    %and3A_719 = arith.constant 127 : i32
    %and3A_720 = vector.broadcast %and3A_719 : i32 to vector<16xi32>
    %and3A_721 = arith.andi %convert_element_type3A_698, %and3A_720 : vector<16xi32>
    %add3A_722 = arith.addi %add3A_718, %and3A_721 : vector<16xi32>
    %swap3A_723 = arith.constant 0 : i32
    %swap3A_724 = arith.index_cast %swap3A_723 : i32 to index
    %swap3A_725 = arith.constant 208 : index
    %swap3A_726 = tpu.vector_load %arg7[%swap3A_724, %swap3A_725] {strides = array<i32>} : memref<1x512xi32, #tpu.memory_space<vmem>>, vector<1x16xi32>,
    %swap3A_727 = vector.shape_cast %swap3A_726 : vector<1x16xi32> to vector<16xi32>
    %swap3A_728 = vector.shape_cast %add3A_722 : vector<16xi32> to vector<1x16xi32>
    tpu.vector_store %arg7[%swap3A_724, %swap3A_725], %swap3A_728 {strides = array<i32>} : memref<1x512xi32, #tpu.memory_space<vmem>>, vector<1x16xi32>,
    %get3A_729 = arith.constant 224 : index
    %get3A_730 = tpu.vector_load %arg5[%get3A_729] {strides = array<i32>} : memref<512xf32, #tpu.memory_space<vmem>>, vector<16xf32>,
    %get3A_731 = vector.shape_cast %get3A_730 : vector<16xf32> to vector<16xf32>
    %get3A_732 = arith.constant 224 : index
    %get3A_733 = tpu.vector_load %arg6[%get3A_732] {strides = array<i32>} : memref<512xf32, #tpu.memory_space<vmem>>, vector<16xf32>,
    %get3A_734 = vector.shape_cast %get3A_733 : vector<16xf32> to vector<16xf32>
    %add3A_735 = arith.constant 1.200000e+00 : f32
    %add3A_736 = vector.broadcast %add3A_735 : f32 to vector<16xf32>
    %add3A_737 = arith.addf %get3A_731, %add3A_736 : vector<16xf32>
    %mul3A_738 = arith.constant 568.888306 : f32
    %mul3A_739 = vector.broadcast %mul3A_738 : f32 to vector<16xf32>
    %mul3A_740 = arith.mulf %add3A_737, %mul3A_739 : vector<16xf32>
    %convert_element_type3A_741 = arith.fptosi %mul3A_740 : vector<16xf32> to vector<16xi32>
    %add3A_742 = arith.constant 7.000000e-02 : f32
    %add3A_743 = vector.broadcast %add3A_742 : f32 to vector<16xf32>
    %add3A_744 = arith.addf %get3A_734, %add3A_743 : vector<16xf32>
    %mul3A_745 = arith.constant 7314.2788 : f32
    %mul3A_746 = vector.broadcast %mul3A_745 : f32 to vector<16xf32>
    %mul3A_747 = arith.mulf %add3A_744, %mul3A_746 : vector<16xf32>
    %convert_element_type3A_748 = arith.fptosi %mul3A_747 : vector<16xf32> to vector<16xi32>
    %shift_right_arithmetic3A_749 = arith.constant 3 : i32
    %shift_right_arithmetic3A_750 = vector.broadcast %shift_right_arithmetic3A_749 : i32 to vector<16xi32>
    %shift_right_arithmetic3A_751 = arith.shrsi %convert_element_type3A_741, %shift_right_arithmetic3A_750 : vector<16xi32>
    %shift_left3A_752 = arith.constant 13 : i32
    %shift_left3A_753 = vector.broadcast %shift_left3A_752 : i32 to vector<16xi32>
    %shift_left3A_754 = arith.shli %shift_right_arithmetic3A_751, %shift_left3A_753 : vector<16xi32>
    %and3A_755 = arith.constant 7 : i32
    %and3A_756 = vector.broadcast %and3A_755 : i32 to vector<16xi32>
    %and3A_757 = arith.andi %convert_element_type3A_741, %and3A_756 : vector<16xi32>
    %shift_left3A_758 = arith.constant 7 : i32
    %shift_left3A_759 = vector.broadcast %shift_left3A_758 : i32 to vector<16xi32>
    %shift_left3A_760 = arith.shli %and3A_757, %shift_left3A_759 : vector<16xi32>
    %add3A_761 = arith.addi %shift_left3A_754, %shift_left3A_760 : vector<16xi32>
    %shift_right_arithmetic3A_762 = arith.constant 7 : i32
    %shift_right_arithmetic3A_763 = vector.broadcast %shift_right_arithmetic3A_762 : i32 to vector<16xi32>
    %shift_right_arithmetic3A_764 = arith.shrsi %convert_element_type3A_748, %shift_right_arithmetic3A_763 : vector<16xi32>
    %shift_left3A_765 = arith.constant 10 : i32
    %shift_left3A_766 = vector.broadcast %shift_left3A_765 : i32 to vector<16xi32>
    %shift_left3A_767 = arith.shli %shift_right_arithmetic3A_764, %shift_left3A_766 : vector<16xi32>
    %add3A_768 = arith.addi %add3A_761, %shift_left3A_767 : vector<16xi32>
    %and3A_769 = arith.constant 127 : i32
    %and3A_770 = vector.broadcast %and3A_769 : i32 to vector<16xi32>
    %and3A_771 = arith.andi %convert_element_type3A_748, %and3A_770 : vector<16xi32>
    %add3A_772 = arith.addi %add3A_768, %and3A_771 : vector<16xi32>
    %swap3A_773 = arith.constant 0 : i32
    %swap3A_774 = arith.index_cast %swap3A_773 : i32 to index
    %swap3A_775 = arith.constant 224 : index
    %swap3A_776 = tpu.vector_load %arg7[%swap3A_774, %swap3A_775] {strides = array<i32>} : memref<1x512xi32, #tpu.memory_space<vmem>>, vector<1x16xi32>,
    %swap3A_777 = vector.shape_cast %swap3A_776 : vector<1x16xi32> to vector<16xi32>
    %swap3A_778 = vector.shape_cast %add3A_772 : vector<16xi32> to vector<1x16xi32>
    tpu.vector_store %arg7[%swap3A_774, %swap3A_775], %swap3A_778 {strides = array<i32>} : memref<1x512xi32, #tpu.memory_space<vmem>>, vector<1x16xi32>,
    %get3A_779 = arith.constant 240 : index
    %get3A_780 = tpu.vector_load %arg5[%get3A_779] {strides = array<i32>} : memref<512xf32, #tpu.memory_space<vmem>>, vector<16xf32>,
    %get3A_781 = vector.shape_cast %get3A_780 : vector<16xf32> to vector<16xf32>
    %get3A_782 = arith.constant 240 : index
    %get3A_783 = tpu.vector_load %arg6[%get3A_782] {strides = array<i32>} : memref<512xf32, #tpu.memory_space<vmem>>, vector<16xf32>,
    %get3A_784 = vector.shape_cast %get3A_783 : vector<16xf32> to vector<16xf32>
    %add3A_785 = arith.constant 1.200000e+00 : f32
    %add3A_786 = vector.broadcast %add3A_785 : f32 to vector<16xf32>
    %add3A_787 = arith.addf %get3A_781, %add3A_786 : vector<16xf32>
    %mul3A_788 = arith.constant 568.888306 : f32
    %mul3A_789 = vector.broadcast %mul3A_788 : f32 to vector<16xf32>
    %mul3A_790 = arith.mulf %add3A_787, %mul3A_789 : vector<16xf32>
    %convert_element_type3A_791 = arith.fptosi %mul3A_790 : vector<16xf32> to vector<16xi32>
    %add3A_792 = arith.constant 7.000000e-02 : f32
    %add3A_793 = vector.broadcast %add3A_792 : f32 to vector<16xf32>
    %add3A_794 = arith.addf %get3A_784, %add3A_793 : vector<16xf32>
    %mul3A_795 = arith.constant 7314.2788 : f32
    %mul3A_796 = vector.broadcast %mul3A_795 : f32 to vector<16xf32>
    %mul3A_797 = arith.mulf %add3A_794, %mul3A_796 : vector<16xf32>
    %convert_element_type3A_798 = arith.fptosi %mul3A_797 : vector<16xf32> to vector<16xi32>
    %shift_right_arithmetic3A_799 = arith.constant 3 : i32
    %shift_right_arithmetic3A_800 = vector.broadcast %shift_right_arithmetic3A_799 : i32 to vector<16xi32>
    %shift_right_arithmetic3A_801 = arith.shrsi %convert_element_type3A_791, %shift_right_arithmetic3A_800 : vector<16xi32>
    %shift_left3A_802 = arith.constant 13 : i32
    %shift_left3A_803 = vector.broadcast %shift_left3A_802 : i32 to vector<16xi32>
    %shift_left3A_804 = arith.shli %shift_right_arithmetic3A_801, %shift_left3A_803 : vector<16xi32>
    %and3A_805 = arith.constant 7 : i32
    %and3A_806 = vector.broadcast %and3A_805 : i32 to vector<16xi32>
    %and3A_807 = arith.andi %convert_element_type3A_791, %and3A_806 : vector<16xi32>
    %shift_left3A_808 = arith.constant 7 : i32
    %shift_left3A_809 = vector.broadcast %shift_left3A_808 : i32 to vector<16xi32>
    %shift_left3A_810 = arith.shli %and3A_807, %shift_left3A_809 : vector<16xi32>
    %add3A_811 = arith.addi %shift_left3A_804, %shift_left3A_810 : vector<16xi32>
    %shift_right_arithmetic3A_812 = arith.constant 7 : i32
    %shift_right_arithmetic3A_813 = vector.broadcast %shift_right_arithmetic3A_812 : i32 to vector<16xi32>
    %shift_right_arithmetic3A_814 = arith.shrsi %convert_element_type3A_798, %shift_right_arithmetic3A_813 : vector<16xi32>
    %shift_left3A_815 = arith.constant 10 : i32
    %shift_left3A_816 = vector.broadcast %shift_left3A_815 : i32 to vector<16xi32>
    %shift_left3A_817 = arith.shli %shift_right_arithmetic3A_814, %shift_left3A_816 : vector<16xi32>
    %add3A_818 = arith.addi %add3A_811, %shift_left3A_817 : vector<16xi32>
    %and3A_819 = arith.constant 127 : i32
    %and3A_820 = vector.broadcast %and3A_819 : i32 to vector<16xi32>
    %and3A_821 = arith.andi %convert_element_type3A_798, %and3A_820 : vector<16xi32>
    %add3A_822 = arith.addi %add3A_818, %and3A_821 : vector<16xi32>
    %swap3A_823 = arith.constant 0 : i32
    %swap3A_824 = arith.index_cast %swap3A_823 : i32 to index
    %swap3A_825 = arith.constant 240 : index
    %swap3A_826 = tpu.vector_load %arg7[%swap3A_824, %swap3A_825] {strides = array<i32>} : memref<1x512xi32, #tpu.memory_space<vmem>>, vector<1x16xi32>,
    %swap3A_827 = vector.shape_cast %swap3A_826 : vector<1x16xi32> to vector<16xi32>
    %swap3A_828 = vector.shape_cast %add3A_822 : vector<16xi32> to vector<1x16xi32>
    tpu.vector_store %arg7[%swap3A_824, %swap3A_825], %swap3A_828 {strides = array<i32>} : memref<1x512xi32, #tpu.memory_space<vmem>>, vector<1x16xi32>,
    %dma_start3A_829 = arith.constant 0 : i32
    %dma_start3A_830 = arith.constant 0 : i32
    %dma_start3A_831 = arith.constant 0 : i32
    %dma_start3A_832 = arith.constant 128 : i32
    %dma_start3A_833 = tpu.memref_slice %arg8[%dma_start3A_831, %dma_start3A_832] : memref<1x512xf32, #tpu.memory_space<vmem>> -> memref<1x128xf32, #tpu.memory_space<vmem>>
    %dma_start3A_834 = tpu.memref_squeeze %dma_start3A_833 : memref<1x128xf32, #tpu.memory_space<vmem>> -> memref<128xf32, #tpu.memory_space<vmem>>
    %dma_start3A_835 = arith.constant 128 : i32
    %dma_start3A_836 = tpu.memref_slice %arg7[%dma_start3A_830, %dma_start3A_835] : memref<1x512xi32, #tpu.memory_space<vmem>> -> memref<1x128xi32, #tpu.memory_space<vmem>>
    %dma_start3A_837 = tpu.memref_squeeze %dma_start3A_836 : memref<1x128xi32, #tpu.memory_space<vmem>> -> memref<128xi32, #tpu.memory_space<vmem>>
    %dma_start3A_838 = arith.constant 0 : i32
    %dma_start3A_839 = tpu.memref_slice %arg3[%dma_start3A_829, %dma_start3A_838] : memref<1024x1024xf32, #tpu.memory_space<hbm>> -> memref<1x128xf32, #tpu.memory_space<hbm>>
    %dma_start3A_840 = tpu.memref_squeeze %dma_start3A_839 : memref<1x128xf32, #tpu.memory_space<hbm>> -> memref<128xf32, #tpu.memory_space<hbm>>
    %dma_start3A_841 = arith.constant 0 : i32
    %dma_start3A_842 = tpu.memref_slice %dma_start3A_840[%dma_start3A_841] : memref<128xf32, #tpu.memory_space<hbm>> -> memref<128xf32, #tpu.memory_space<hbm>>
    tpu.enqueue_indirect_dma source(%dma_start3A_842 : memref<128xf32, #tpu.memory_space<hbm>>) target(%dma_start3A_834 : memref<128xf32, #tpu.memory_space<vmem>>) offsets(%dma_start3A_837 : memref<128xi32, #tpu.memory_space<vmem>>) semaphore(%arg10 : memref<!tpu.dma_semaphore, #tpu.memory_space<semaphore_mem>>)
    %get3A_843 = arith.constant 256 : index
    %get3A_844 = tpu.vector_load %arg5[%get3A_843] {strides = array<i32>} : memref<512xf32, #tpu.memory_space<vmem>>, vector<16xf32>,
    %get3A_845 = vector.shape_cast %get3A_844 : vector<16xf32> to vector<16xf32>
    %get3A_846 = arith.constant 256 : index
    %get3A_847 = tpu.vector_load %arg6[%get3A_846] {strides = array<i32>} : memref<512xf32, #tpu.memory_space<vmem>>, vector<16xf32>,
    %get3A_848 = vector.shape_cast %get3A_847 : vector<16xf32> to vector<16xf32>
    %add3A_849 = arith.constant 1.200000e+00 : f32
    %add3A_850 = vector.broadcast %add3A_849 : f32 to vector<16xf32>
    %add3A_851 = arith.addf %get3A_845, %add3A_850 : vector<16xf32>
    %mul3A_852 = arith.constant 568.888306 : f32
    %mul3A_853 = vector.broadcast %mul3A_852 : f32 to vector<16xf32>
    %mul3A_854 = arith.mulf %add3A_851, %mul3A_853 : vector<16xf32>
    %convert_element_type3A_855 = arith.fptosi %mul3A_854 : vector<16xf32> to vector<16xi32>
    %add3A_856 = arith.constant 7.000000e-02 : f32
    %add3A_857 = vector.broadcast %add3A_856 : f32 to vector<16xf32>
    %add3A_858 = arith.addf %get3A_848, %add3A_857 : vector<16xf32>
    %mul3A_859 = arith.constant 7314.2788 : f32
    %mul3A_860 = vector.broadcast %mul3A_859 : f32 to vector<16xf32>
    %mul3A_861 = arith.mulf %add3A_858, %mul3A_860 : vector<16xf32>
    %convert_element_type3A_862 = arith.fptosi %mul3A_861 : vector<16xf32> to vector<16xi32>
    %shift_right_arithmetic3A_863 = arith.constant 3 : i32
    %shift_right_arithmetic3A_864 = vector.broadcast %shift_right_arithmetic3A_863 : i32 to vector<16xi32>
    %shift_right_arithmetic3A_865 = arith.shrsi %convert_element_type3A_855, %shift_right_arithmetic3A_864 : vector<16xi32>
    %shift_left3A_866 = arith.constant 13 : i32
    %shift_left3A_867 = vector.broadcast %shift_left3A_866 : i32 to vector<16xi32>
    %shift_left3A_868 = arith.shli %shift_right_arithmetic3A_865, %shift_left3A_867 : vector<16xi32>
    %and3A_869 = arith.constant 7 : i32
    %and3A_870 = vector.broadcast %and3A_869 : i32 to vector<16xi32>
    %and3A_871 = arith.andi %convert_element_type3A_855, %and3A_870 : vector<16xi32>
    %shift_left3A_872 = arith.constant 7 : i32
    %shift_left3A_873 = vector.broadcast %shift_left3A_872 : i32 to vector<16xi32>
    %shift_left3A_874 = arith.shli %and3A_871, %shift_left3A_873 : vector<16xi32>
    %add3A_875 = arith.addi %shift_left3A_868, %shift_left3A_874 : vector<16xi32>
    %shift_right_arithmetic3A_876 = arith.constant 7 : i32
    %shift_right_arithmetic3A_877 = vector.broadcast %shift_right_arithmetic3A_876 : i32 to vector<16xi32>
    %shift_right_arithmetic3A_878 = arith.shrsi %convert_element_type3A_862, %shift_right_arithmetic3A_877 : vector<16xi32>
    %shift_left3A_879 = arith.constant 10 : i32
    %shift_left3A_880 = vector.broadcast %shift_left3A_879 : i32 to vector<16xi32>
    %shift_left3A_881 = arith.shli %shift_right_arithmetic3A_878, %shift_left3A_880 : vector<16xi32>
    %add3A_882 = arith.addi %add3A_875, %shift_left3A_881 : vector<16xi32>
    %and3A_883 = arith.constant 127 : i32
    %and3A_884 = vector.broadcast %and3A_883 : i32 to vector<16xi32>
    %and3A_885 = arith.andi %convert_element_type3A_862, %and3A_884 : vector<16xi32>
    %add3A_886 = arith.addi %add3A_882, %and3A_885 : vector<16xi32>
    %swap3A_887 = arith.constant 0 : i32
    %swap3A_888 = arith.index_cast %swap3A_887 : i32 to index
    %swap3A_889 = arith.constant 256 : index
    %swap3A_890 = tpu.vector_load %arg7[%swap3A_888, %swap3A_889] {strides = array<i32>} : memref<1x512xi32, #tpu.memory_space<vmem>>, vector<1x16xi32>,
    %swap3A_891 = vector.shape_cast %swap3A_890 : vector<1x16xi32> to vector<16xi32>
    %swap3A_892 = vector.shape_cast %add3A_886 : vector<16xi32> to vector<1x16xi32>
    tpu.vector_store %arg7[%swap3A_888, %swap3A_889], %swap3A_892 {strides = array<i32>} : memref<1x512xi32, #tpu.memory_space<vmem>>, vector<1x16xi32>,
    %get3A_893 = arith.constant 272 : index
    %get3A_894 = tpu.vector_load %arg5[%get3A_893] {strides = array<i32>} : memref<512xf32, #tpu.memory_space<vmem>>, vector<16xf32>,
    %get3A_895 = vector.shape_cast %get3A_894 : vector<16xf32> to vector<16xf32>
    %get3A_896 = arith.constant 272 : index
    %get3A_897 = tpu.vector_load %arg6[%get3A_896] {strides = array<i32>} : memref<512xf32, #tpu.memory_space<vmem>>, vector<16xf32>,
    %get3A_898 = vector.shape_cast %get3A_897 : vector<16xf32> to vector<16xf32>
    %add3A_899 = arith.constant 1.200000e+00 : f32
    %add3A_900 = vector.broadcast %add3A_899 : f32 to vector<16xf32>
    %add3A_901 = arith.addf %get3A_895, %add3A_900 : vector<16xf32>
    %mul3A_902 = arith.constant 568.888306 : f32
    %mul3A_903 = vector.broadcast %mul3A_902 : f32 to vector<16xf32>
    %mul3A_904 = arith.mulf %add3A_901, %mul3A_903 : vector<16xf32>
    %convert_element_type3A_905 = arith.fptosi %mul3A_904 : vector<16xf32> to vector<16xi32>
    %add3A_906 = arith.constant 7.000000e-02 : f32
    %add3A_907 = vector.broadcast %add3A_906 : f32 to vector<16xf32>
    %add3A_908 = arith.addf %get3A_898, %add3A_907 : vector<16xf32>
    %mul3A_909 = arith.constant 7314.2788 : f32
    %mul3A_910 = vector.broadcast %mul3A_909 : f32 to vector<16xf32>
    %mul3A_911 = arith.mulf %add3A_908, %mul3A_910 : vector<16xf32>
    %convert_element_type3A_912 = arith.fptosi %mul3A_911 : vector<16xf32> to vector<16xi32>
    %shift_right_arithmetic3A_913 = arith.constant 3 : i32
    %shift_right_arithmetic3A_914 = vector.broadcast %shift_right_arithmetic3A_913 : i32 to vector<16xi32>
    %shift_right_arithmetic3A_915 = arith.shrsi %convert_element_type3A_905, %shift_right_arithmetic3A_914 : vector<16xi32>
    %shift_left3A_916 = arith.constant 13 : i32
    %shift_left3A_917 = vector.broadcast %shift_left3A_916 : i32 to vector<16xi32>
    %shift_left3A_918 = arith.shli %shift_right_arithmetic3A_915, %shift_left3A_917 : vector<16xi32>
    %and3A_919 = arith.constant 7 : i32
    %and3A_920 = vector.broadcast %and3A_919 : i32 to vector<16xi32>
    %and3A_921 = arith.andi %convert_element_type3A_905, %and3A_920 : vector<16xi32>
    %shift_left3A_922 = arith.constant 7 : i32
    %shift_left3A_923 = vector.broadcast %shift_left3A_922 : i32 to vector<16xi32>
    %shift_left3A_924 = arith.shli %and3A_921, %shift_left3A_923 : vector<16xi32>
    %add3A_925 = arith.addi %shift_left3A_918, %shift_left3A_924 : vector<16xi32>
    %shift_right_arithmetic3A_926 = arith.constant 7 : i32
    %shift_right_arithmetic3A_927 = vector.broadcast %shift_right_arithmetic3A_926 : i32 to vector<16xi32>
    %shift_right_arithmetic3A_928 = arith.shrsi %convert_element_type3A_912, %shift_right_arithmetic3A_927 : vector<16xi32>
    %shift_left3A_929 = arith.constant 10 : i32
    %shift_left3A_930 = vector.broadcast %shift_left3A_929 : i32 to vector<16xi32>
    %shift_left3A_931 = arith.shli %shift_right_arithmetic3A_928, %shift_left3A_930 : vector<16xi32>
    %add3A_932 = arith.addi %add3A_925, %shift_left3A_931 : vector<16xi32>
    %and3A_933 = arith.constant 127 : i32
    %and3A_934 = vector.broadcast %and3A_933 : i32 to vector<16xi32>
    %and3A_935 = arith.andi %convert_element_type3A_912, %and3A_934 : vector<16xi32>
    %add3A_936 = arith.addi %add3A_932, %and3A_935 : vector<16xi32>
    %swap3A_937 = arith.constant 0 : i32
    %swap3A_938 = arith.index_cast %swap3A_937 : i32 to index
    %swap3A_939 = arith.constant 272 : index
    %swap3A_940 = tpu.vector_load %arg7[%swap3A_938, %swap3A_939] {strides = array<i32>} : memref<1x512xi32, #tpu.memory_space<vmem>>, vector<1x16xi32>,
    %swap3A_941 = vector.shape_cast %swap3A_940 : vector<1x16xi32> to vector<16xi32>
    %swap3A_942 = vector.shape_cast %add3A_936 : vector<16xi32> to vector<1x16xi32>
    tpu.vector_store %arg7[%swap3A_938, %swap3A_939], %swap3A_942 {strides = array<i32>} : memref<1x512xi32, #tpu.memory_space<vmem>>, vector<1x16xi32>,
    %get3A_943 = arith.constant 288 : index
    %get3A_944 = tpu.vector_load %arg5[%get3A_943] {strides = array<i32>} : memref<512xf32, #tpu.memory_space<vmem>>, vector<16xf32>,
    %get3A_945 = vector.shape_cast %get3A_944 : vector<16xf32> to vector<16xf32>
    %get3A_946 = arith.constant 288 : index
    %get3A_947 = tpu.vector_load %arg6[%get3A_946] {strides = array<i32>} : memref<512xf32, #tpu.memory_space<vmem>>, vector<16xf32>,
    %get3A_948 = vector.shape_cast %get3A_947 : vector<16xf32> to vector<16xf32>
    %add3A_949 = arith.constant 1.200000e+00 : f32
    %add3A_950 = vector.broadcast %add3A_949 : f32 to vector<16xf32>
    %add3A_951 = arith.addf %get3A_945, %add3A_950 : vector<16xf32>
    %mul3A_952 = arith.constant 568.888306 : f32
    %mul3A_953 = vector.broadcast %mul3A_952 : f32 to vector<16xf32>
    %mul3A_954 = arith.mulf %add3A_951, %mul3A_953 : vector<16xf32>
    %convert_element_type3A_955 = arith.fptosi %mul3A_954 : vector<16xf32> to vector<16xi32>
    %add3A_956 = arith.constant 7.000000e-02 : f32
    %add3A_957 = vector.broadcast %add3A_956 : f32 to vector<16xf32>
    %add3A_958 = arith.addf %get3A_948, %add3A_957 : vector<16xf32>
    %mul3A_959 = arith.constant 7314.2788 : f32
    %mul3A_960 = vector.broadcast %mul3A_959 : f32 to vector<16xf32>
    %mul3A_961 = arith.mulf %add3A_958, %mul3A_960 : vector<16xf32>
    %convert_element_type3A_962 = arith.fptosi %mul3A_961 : vector<16xf32> to vector<16xi32>
    %shift_right_arithmetic3A_963 = arith.constant 3 : i32
    %shift_right_arithmetic3A_964 = vector.broadcast %shift_right_arithmetic3A_963 : i32 to vector<16xi32>
    %shift_right_arithmetic3A_965 = arith.shrsi %convert_element_type3A_955, %shift_right_arithmetic3A_964 : vector<16xi32>
    %shift_left3A_966 = arith.constant 13 : i32
    %shift_left3A_967 = vector.broadcast %shift_left3A_966 : i32 to vector<16xi32>
    %shift_left3A_968 = arith.shli %shift_right_arithmetic3A_965, %shift_left3A_967 : vector<16xi32>
    %and3A_969 = arith.constant 7 : i32
    %and3A_970 = vector.broadcast %and3A_969 : i32 to vector<16xi32>
    %and3A_971 = arith.andi %convert_element_type3A_955, %and3A_970 : vector<16xi32>
    %shift_left3A_972 = arith.constant 7 : i32
    %shift_left3A_973 = vector.broadcast %shift_left3A_972 : i32 to vector<16xi32>
    %shift_left3A_974 = arith.shli %and3A_971, %shift_left3A_973 : vector<16xi32>
    %add3A_975 = arith.addi %shift_left3A_968, %shift_left3A_974 : vector<16xi32>
    %shift_right_arithmetic3A_976 = arith.constant 7 : i32
    %shift_right_arithmetic3A_977 = vector.broadcast %shift_right_arithmetic3A_976 : i32 to vector<16xi32>
    %shift_right_arithmetic3A_978 = arith.shrsi %convert_element_type3A_962, %shift_right_arithmetic3A_977 : vector<16xi32>
    %shift_left3A_979 = arith.constant 10 : i32
    %shift_left3A_980 = vector.broadcast %shift_left3A_979 : i32 to vector<16xi32>
    %shift_left3A_981 = arith.shli %shift_right_arithmetic3A_978, %shift_left3A_980 : vector<16xi32>
    %add3A_982 = arith.addi %add3A_975, %shift_left3A_981 : vector<16xi32>
    %and3A_983 = arith.constant 127 : i32
    %and3A_984 = vector.broadcast %and3A_983 : i32 to vector<16xi32>
    %and3A_985 = arith.andi %convert_element_type3A_962, %and3A_984 : vector<16xi32>
    %add3A_986 = arith.addi %add3A_982, %and3A_985 : vector<16xi32>
    %swap3A_987 = arith.constant 0 : i32
    %swap3A_988 = arith.index_cast %swap3A_987 : i32 to index
    %swap3A_989 = arith.constant 288 : index
    %swap3A_990 = tpu.vector_load %arg7[%swap3A_988, %swap3A_989] {strides = array<i32>} : memref<1x512xi32, #tpu.memory_space<vmem>>, vector<1x16xi32>,
    %swap3A_991 = vector.shape_cast %swap3A_990 : vector<1x16xi32> to vector<16xi32>
    %swap3A_992 = vector.shape_cast %add3A_986 : vector<16xi32> to vector<1x16xi32>
    tpu.vector_store %arg7[%swap3A_988, %swap3A_989], %swap3A_992 {strides = array<i32>} : memref<1x512xi32, #tpu.memory_space<vmem>>, vector<1x16xi32>,
    %get3A_993 = arith.constant 304 : index
    %get3A_994 = tpu.vector_load %arg5[%get3A_993] {strides = array<i32>} : memref<512xf32, #tpu.memory_space<vmem>>, vector<16xf32>,
    %get3A_995 = vector.shape_cast %get3A_994 : vector<16xf32> to vector<16xf32>
    %get3A_996 = arith.constant 304 : index
    %get3A_997 = tpu.vector_load %arg6[%get3A_996] {strides = array<i32>} : memref<512xf32, #tpu.memory_space<vmem>>, vector<16xf32>,
    %get3A_998 = vector.shape_cast %get3A_997 : vector<16xf32> to vector<16xf32>
    %add3A_999 = arith.constant 1.200000e+00 : f32
    %add3A_1000 = vector.broadcast %add3A_999 : f32 to vector<16xf32>
    %add3A_1001 = arith.addf %get3A_995, %add3A_1000 : vector<16xf32>
    %mul3A_1002 = arith.constant 568.888306 : f32
    %mul3A_1003 = vector.broadcast %mul3A_1002 : f32 to vector<16xf32>
    %mul3A_1004 = arith.mulf %add3A_1001, %mul3A_1003 : vector<16xf32>
    %convert_element_type3A_1005 = arith.fptosi %mul3A_1004 : vector<16xf32> to vector<16xi32>
    %add3A_1006 = arith.constant 7.000000e-02 : f32
    %add3A_1007 = vector.broadcast %add3A_1006 : f32 to vector<16xf32>
    %add3A_1008 = arith.addf %get3A_998, %add3A_1007 : vector<16xf32>
    %mul3A_1009 = arith.constant 7314.2788 : f32
    %mul3A_1010 = vector.broadcast %mul3A_1009 : f32 to vector<16xf32>
    %mul3A_1011 = arith.mulf %add3A_1008, %mul3A_1010 : vector<16xf32>
    %convert_element_type3A_1012 = arith.fptosi %mul3A_1011 : vector<16xf32> to vector<16xi32>
    %shift_right_arithmetic3A_1013 = arith.constant 3 : i32
    %shift_right_arithmetic3A_1014 = vector.broadcast %shift_right_arithmetic3A_1013 : i32 to vector<16xi32>
    %shift_right_arithmetic3A_1015 = arith.shrsi %convert_element_type3A_1005, %shift_right_arithmetic3A_1014 : vector<16xi32>
    %shift_left3A_1016 = arith.constant 13 : i32
    %shift_left3A_1017 = vector.broadcast %shift_left3A_1016 : i32 to vector<16xi32>
    %shift_left3A_1018 = arith.shli %shift_right_arithmetic3A_1015, %shift_left3A_1017 : vector<16xi32>
    %and3A_1019 = arith.constant 7 : i32
    %and3A_1020 = vector.broadcast %and3A_1019 : i32 to vector<16xi32>
    %and3A_1021 = arith.andi %convert_element_type3A_1005, %and3A_1020 : vector<16xi32>
    %shift_left3A_1022 = arith.constant 7 : i32
    %shift_left3A_1023 = vector.broadcast %shift_left3A_1022 : i32 to vector<16xi32>
    %shift_left3A_1024 = arith.shli %and3A_1021, %shift_left3A_1023 : vector<16xi32>
    %add3A_1025 = arith.addi %shift_left3A_1018, %shift_left3A_1024 : vector<16xi32>
    %shift_right_arithmetic3A_1026 = arith.constant 7 : i32
    %shift_right_arithmetic3A_1027 = vector.broadcast %shift_right_arithmetic3A_1026 : i32 to vector<16xi32>
    %shift_right_arithmetic3A_1028 = arith.shrsi %convert_element_type3A_1012, %shift_right_arithmetic3A_1027 : vector<16xi32>
    %shift_left3A_1029 = arith.constant 10 : i32
    %shift_left3A_1030 = vector.broadcast %shift_left3A_1029 : i32 to vector<16xi32>
    %shift_left3A_1031 = arith.shli %shift_right_arithmetic3A_1028, %shift_left3A_1030 : vector<16xi32>
    %add3A_1032 = arith.addi %add3A_1025, %shift_left3A_1031 : vector<16xi32>
    %and3A_1033 = arith.constant 127 : i32
    %and3A_1034 = vector.broadcast %and3A_1033 : i32 to vector<16xi32>
    %and3A_1035 = arith.andi %convert_element_type3A_1012, %and3A_1034 : vector<16xi32>
    %add3A_1036 = arith.addi %add3A_1032, %and3A_1035 : vector<16xi32>
    %swap3A_1037 = arith.constant 0 : i32
    %swap3A_1038 = arith.index_cast %swap3A_1037 : i32 to index
    %swap3A_1039 = arith.constant 304 : index
    %swap3A_1040 = tpu.vector_load %arg7[%swap3A_1038, %swap3A_1039] {strides = array<i32>} : memref<1x512xi32, #tpu.memory_space<vmem>>, vector<1x16xi32>,
    %swap3A_1041 = vector.shape_cast %swap3A_1040 : vector<1x16xi32> to vector<16xi32>
    %swap3A_1042 = vector.shape_cast %add3A_1036 : vector<16xi32> to vector<1x16xi32>
    tpu.vector_store %arg7[%swap3A_1038, %swap3A_1039], %swap3A_1042 {strides = array<i32>} : memref<1x512xi32, #tpu.memory_space<vmem>>, vector<1x16xi32>,
    %get3A_1043 = arith.constant 320 : index
    %get3A_1044 = tpu.vector_load %arg5[%get3A_1043] {strides = array<i32>} : memref<512xf32, #tpu.memory_space<vmem>>, vector<16xf32>,
    %get3A_1045 = vector.shape_cast %get3A_1044 : vector<16xf32> to vector<16xf32>
    %get3A_1046 = arith.constant 320 : index
    %get3A_1047 = tpu.vector_load %arg6[%get3A_1046] {strides = array<i32>} : memref<512xf32, #tpu.memory_space<vmem>>, vector<16xf32>,
    %get3A_1048 = vector.shape_cast %get3A_1047 : vector<16xf32> to vector<16xf32>
    %add3A_1049 = arith.constant 1.200000e+00 : f32
    %add3A_1050 = vector.broadcast %add3A_1049 : f32 to vector<16xf32>
    %add3A_1051 = arith.addf %get3A_1045, %add3A_1050 : vector<16xf32>
    %mul3A_1052 = arith.constant 568.888306 : f32
    %mul3A_1053 = vector.broadcast %mul3A_1052 : f32 to vector<16xf32>
    %mul3A_1054 = arith.mulf %add3A_1051, %mul3A_1053 : vector<16xf32>
    %convert_element_type3A_1055 = arith.fptosi %mul3A_1054 : vector<16xf32> to vector<16xi32>
    %add3A_1056 = arith.constant 7.000000e-02 : f32
    %add3A_1057 = vector.broadcast %add3A_1056 : f32 to vector<16xf32>
    %add3A_1058 = arith.addf %get3A_1048, %add3A_1057 : vector<16xf32>
    %mul3A_1059 = arith.constant 7314.2788 : f32
    %mul3A_1060 = vector.broadcast %mul3A_1059 : f32 to vector<16xf32>
    %mul3A_1061 = arith.mulf %add3A_1058, %mul3A_1060 : vector<16xf32>
    %convert_element_type3A_1062 = arith.fptosi %mul3A_1061 : vector<16xf32> to vector<16xi32>
    %shift_right_arithmetic3A_1063 = arith.constant 3 : i32
    %shift_right_arithmetic3A_1064 = vector.broadcast %shift_right_arithmetic3A_1063 : i32 to vector<16xi32>
    %shift_right_arithmetic3A_1065 = arith.shrsi %convert_element_type3A_1055, %shift_right_arithmetic3A_1064 : vector<16xi32>
    %shift_left3A_1066 = arith.constant 13 : i32
    %shift_left3A_1067 = vector.broadcast %shift_left3A_1066 : i32 to vector<16xi32>
    %shift_left3A_1068 = arith.shli %shift_right_arithmetic3A_1065, %shift_left3A_1067 : vector<16xi32>
    %and3A_1069 = arith.constant 7 : i32
    %and3A_1070 = vector.broadcast %and3A_1069 : i32 to vector<16xi32>
    %and3A_1071 = arith.andi %convert_element_type3A_1055, %and3A_1070 : vector<16xi32>
    %shift_left3A_1072 = arith.constant 7 : i32
    %shift_left3A_1073 = vector.broadcast %shift_left3A_1072 : i32 to vector<16xi32>
    %shift_left3A_1074 = arith.shli %and3A_1071, %shift_left3A_1073 : vector<16xi32>
    %add3A_1075 = arith.addi %shift_left3A_1068, %shift_left3A_1074 : vector<16xi32>
    %shift_right_arithmetic3A_1076 = arith.constant 7 : i32
    %shift_right_arithmetic3A_1077 = vector.broadcast %shift_right_arithmetic3A_1076 : i32 to vector<16xi32>
    %shift_right_arithmetic3A_1078 = arith.shrsi %convert_element_type3A_1062, %shift_right_arithmetic3A_1077 : vector<16xi32>
    %shift_left3A_1079 = arith.constant 10 : i32
    %shift_left3A_1080 = vector.broadcast %shift_left3A_1079 : i32 to vector<16xi32>
    %shift_left3A_1081 = arith.shli %shift_right_arithmetic3A_1078, %shift_left3A_1080 : vector<16xi32>
    %add3A_1082 = arith.addi %add3A_1075, %shift_left3A_1081 : vector<16xi32>
    %and3A_1083 = arith.constant 127 : i32
    %and3A_1084 = vector.broadcast %and3A_1083 : i32 to vector<16xi32>
    %and3A_1085 = arith.andi %convert_element_type3A_1062, %and3A_1084 : vector<16xi32>
    %add3A_1086 = arith.addi %add3A_1082, %and3A_1085 : vector<16xi32>
    %swap3A_1087 = arith.constant 0 : i32
    %swap3A_1088 = arith.index_cast %swap3A_1087 : i32 to index
    %swap3A_1089 = arith.constant 320 : index
    %swap3A_1090 = tpu.vector_load %arg7[%swap3A_1088, %swap3A_1089] {strides = array<i32>} : memref<1x512xi32, #tpu.memory_space<vmem>>, vector<1x16xi32>,
    %swap3A_1091 = vector.shape_cast %swap3A_1090 : vector<1x16xi32> to vector<16xi32>
    %swap3A_1092 = vector.shape_cast %add3A_1086 : vector<16xi32> to vector<1x16xi32>
    tpu.vector_store %arg7[%swap3A_1088, %swap3A_1089], %swap3A_1092 {strides = array<i32>} : memref<1x512xi32, #tpu.memory_space<vmem>>, vector<1x16xi32>,
    %get3A_1093 = arith.constant 336 : index
    %get3A_1094 = tpu.vector_load %arg5[%get3A_1093] {strides = array<i32>} : memref<512xf32, #tpu.memory_space<vmem>>, vector<16xf32>,
    %get3A_1095 = vector.shape_cast %get3A_1094 : vector<16xf32> to vector<16xf32>
    %get3A_1096 = arith.constant 336 : index
    %get3A_1097 = tpu.vector_load %arg6[%get3A_1096] {strides = array<i32>} : memref<512xf32, #tpu.memory_space<vmem>>, vector<16xf32>,
    %get3A_1098 = vector.shape_cast %get3A_1097 : vector<16xf32> to vector<16xf32>
    %add3A_1099 = arith.constant 1.200000e+00 : f32
    %add3A_1100 = vector.broadcast %add3A_1099 : f32 to vector<16xf32>
    %add3A_1101 = arith.addf %get3A_1095, %add3A_1100 : vector<16xf32>
    %mul3A_1102 = arith.constant 568.888306 : f32
    %mul3A_1103 = vector.broadcast %mul3A_1102 : f32 to vector<16xf32>
    %mul3A_1104 = arith.mulf %add3A_1101, %mul3A_1103 : vector<16xf32>
    %convert_element_type3A_1105 = arith.fptosi %mul3A_1104 : vector<16xf32> to vector<16xi32>
    %add3A_1106 = arith.constant 7.000000e-02 : f32
    %add3A_1107 = vector.broadcast %add3A_1106 : f32 to vector<16xf32>
    %add3A_1108 = arith.addf %get3A_1098, %add3A_1107 : vector<16xf32>
    %mul3A_1109 = arith.constant 7314.2788 : f32
    %mul3A_1110 = vector.broadcast %mul3A_1109 : f32 to vector<16xf32>
    %mul3A_1111 = arith.mulf %add3A_1108, %mul3A_1110 : vector<16xf32>
    %convert_element_type3A_1112 = arith.fptosi %mul3A_1111 : vector<16xf32> to vector<16xi32>
    %shift_right_arithmetic3A_1113 = arith.constant 3 : i32
    %shift_right_arithmetic3A_1114 = vector.broadcast %shift_right_arithmetic3A_1113 : i32 to vector<16xi32>
    %shift_right_arithmetic3A_1115 = arith.shrsi %convert_element_type3A_1105, %shift_right_arithmetic3A_1114 : vector<16xi32>
    %shift_left3A_1116 = arith.constant 13 : i32
    %shift_left3A_1117 = vector.broadcast %shift_left3A_1116 : i32 to vector<16xi32>
    %shift_left3A_1118 = arith.shli %shift_right_arithmetic3A_1115, %shift_left3A_1117 : vector<16xi32>
    %and3A_1119 = arith.constant 7 : i32
    %and3A_1120 = vector.broadcast %and3A_1119 : i32 to vector<16xi32>
    %and3A_1121 = arith.andi %convert_element_type3A_1105, %and3A_1120 : vector<16xi32>
    %shift_left3A_1122 = arith.constant 7 : i32
    %shift_left3A_1123 = vector.broadcast %shift_left3A_1122 : i32 to vector<16xi32>
    %shift_left3A_1124 = arith.shli %and3A_1121, %shift_left3A_1123 : vector<16xi32>
    %add3A_1125 = arith.addi %shift_left3A_1118, %shift_left3A_1124 : vector<16xi32>
    %shift_right_arithmetic3A_1126 = arith.constant 7 : i32
    %shift_right_arithmetic3A_1127 = vector.broadcast %shift_right_arithmetic3A_1126 : i32 to vector<16xi32>
    %shift_right_arithmetic3A_1128 = arith.shrsi %convert_element_type3A_1112, %shift_right_arithmetic3A_1127 : vector<16xi32>
    %shift_left3A_1129 = arith.constant 10 : i32
    %shift_left3A_1130 = vector.broadcast %shift_left3A_1129 : i32 to vector<16xi32>
    %shift_left3A_1131 = arith.shli %shift_right_arithmetic3A_1128, %shift_left3A_1130 : vector<16xi32>
    %add3A_1132 = arith.addi %add3A_1125, %shift_left3A_1131 : vector<16xi32>
    %and3A_1133 = arith.constant 127 : i32
    %and3A_1134 = vector.broadcast %and3A_1133 : i32 to vector<16xi32>
    %and3A_1135 = arith.andi %convert_element_type3A_1112, %and3A_1134 : vector<16xi32>
    %add3A_1136 = arith.addi %add3A_1132, %and3A_1135 : vector<16xi32>
    %swap3A_1137 = arith.constant 0 : i32
    %swap3A_1138 = arith.index_cast %swap3A_1137 : i32 to index
    %swap3A_1139 = arith.constant 336 : index
    %swap3A_1140 = tpu.vector_load %arg7[%swap3A_1138, %swap3A_1139] {strides = array<i32>} : memref<1x512xi32, #tpu.memory_space<vmem>>, vector<1x16xi32>,
    %swap3A_1141 = vector.shape_cast %swap3A_1140 : vector<1x16xi32> to vector<16xi32>
    %swap3A_1142 = vector.shape_cast %add3A_1136 : vector<16xi32> to vector<1x16xi32>
    tpu.vector_store %arg7[%swap3A_1138, %swap3A_1139], %swap3A_1142 {strides = array<i32>} : memref<1x512xi32, #tpu.memory_space<vmem>>, vector<1x16xi32>,
    %get3A_1143 = arith.constant 352 : index
    %get3A_1144 = tpu.vector_load %arg5[%get3A_1143] {strides = array<i32>} : memref<512xf32, #tpu.memory_space<vmem>>, vector<16xf32>,
    %get3A_1145 = vector.shape_cast %get3A_1144 : vector<16xf32> to vector<16xf32>
    %get3A_1146 = arith.constant 352 : index
    %get3A_1147 = tpu.vector_load %arg6[%get3A_1146] {strides = array<i32>} : memref<512xf32, #tpu.memory_space<vmem>>, vector<16xf32>,
    %get3A_1148 = vector.shape_cast %get3A_1147 : vector<16xf32> to vector<16xf32>
    %add3A_1149 = arith.constant 1.200000e+00 : f32
    %add3A_1150 = vector.broadcast %add3A_1149 : f32 to vector<16xf32>
    %add3A_1151 = arith.addf %get3A_1145, %add3A_1150 : vector<16xf32>
    %mul3A_1152 = arith.constant 568.888306 : f32
    %mul3A_1153 = vector.broadcast %mul3A_1152 : f32 to vector<16xf32>
    %mul3A_1154 = arith.mulf %add3A_1151, %mul3A_1153 : vector<16xf32>
    %convert_element_type3A_1155 = arith.fptosi %mul3A_1154 : vector<16xf32> to vector<16xi32>
    %add3A_1156 = arith.constant 7.000000e-02 : f32
    %add3A_1157 = vector.broadcast %add3A_1156 : f32 to vector<16xf32>
    %add3A_1158 = arith.addf %get3A_1148, %add3A_1157 : vector<16xf32>
    %mul3A_1159 = arith.constant 7314.2788 : f32
    %mul3A_1160 = vector.broadcast %mul3A_1159 : f32 to vector<16xf32>
    %mul3A_1161 = arith.mulf %add3A_1158, %mul3A_1160 : vector<16xf32>
    %convert_element_type3A_1162 = arith.fptosi %mul3A_1161 : vector<16xf32> to vector<16xi32>
    %shift_right_arithmetic3A_1163 = arith.constant 3 : i32
    %shift_right_arithmetic3A_1164 = vector.broadcast %shift_right_arithmetic3A_1163 : i32 to vector<16xi32>
    %shift_right_arithmetic3A_1165 = arith.shrsi %convert_element_type3A_1155, %shift_right_arithmetic3A_1164 : vector<16xi32>
    %shift_left3A_1166 = arith.constant 13 : i32
    %shift_left3A_1167 = vector.broadcast %shift_left3A_1166 : i32 to vector<16xi32>
    %shift_left3A_1168 = arith.shli %shift_right_arithmetic3A_1165, %shift_left3A_1167 : vector<16xi32>
    %and3A_1169 = arith.constant 7 : i32
    %and3A_1170 = vector.broadcast %and3A_1169 : i32 to vector<16xi32>
    %and3A_1171 = arith.andi %convert_element_type3A_1155, %and3A_1170 : vector<16xi32>
    %shift_left3A_1172 = arith.constant 7 : i32
    %shift_left3A_1173 = vector.broadcast %shift_left3A_1172 : i32 to vector<16xi32>
    %shift_left3A_1174 = arith.shli %and3A_1171, %shift_left3A_1173 : vector<16xi32>
    %add3A_1175 = arith.addi %shift_left3A_1168, %shift_left3A_1174 : vector<16xi32>
    %shift_right_arithmetic3A_1176 = arith.constant 7 : i32
    %shift_right_arithmetic3A_1177 = vector.broadcast %shift_right_arithmetic3A_1176 : i32 to vector<16xi32>
    %shift_right_arithmetic3A_1178 = arith.shrsi %convert_element_type3A_1162, %shift_right_arithmetic3A_1177 : vector<16xi32>
    %shift_left3A_1179 = arith.constant 10 : i32
    %shift_left3A_1180 = vector.broadcast %shift_left3A_1179 : i32 to vector<16xi32>
    %shift_left3A_1181 = arith.shli %shift_right_arithmetic3A_1178, %shift_left3A_1180 : vector<16xi32>
    %add3A_1182 = arith.addi %add3A_1175, %shift_left3A_1181 : vector<16xi32>
    %and3A_1183 = arith.constant 127 : i32
    %and3A_1184 = vector.broadcast %and3A_1183 : i32 to vector<16xi32>
    %and3A_1185 = arith.andi %convert_element_type3A_1162, %and3A_1184 : vector<16xi32>
    %add3A_1186 = arith.addi %add3A_1182, %and3A_1185 : vector<16xi32>
    %swap3A_1187 = arith.constant 0 : i32
    %swap3A_1188 = arith.index_cast %swap3A_1187 : i32 to index
    %swap3A_1189 = arith.constant 352 : index
    %swap3A_1190 = tpu.vector_load %arg7[%swap3A_1188, %swap3A_1189] {strides = array<i32>} : memref<1x512xi32, #tpu.memory_space<vmem>>, vector<1x16xi32>,
    %swap3A_1191 = vector.shape_cast %swap3A_1190 : vector<1x16xi32> to vector<16xi32>
    %swap3A_1192 = vector.shape_cast %add3A_1186 : vector<16xi32> to vector<1x16xi32>
    tpu.vector_store %arg7[%swap3A_1188, %swap3A_1189], %swap3A_1192 {strides = array<i32>} : memref<1x512xi32, #tpu.memory_space<vmem>>, vector<1x16xi32>,
    %get3A_1193 = arith.constant 368 : index
    %get3A_1194 = tpu.vector_load %arg5[%get3A_1193] {strides = array<i32>} : memref<512xf32, #tpu.memory_space<vmem>>, vector<16xf32>,
    %get3A_1195 = vector.shape_cast %get3A_1194 : vector<16xf32> to vector<16xf32>
    %get3A_1196 = arith.constant 368 : index
    %get3A_1197 = tpu.vector_load %arg6[%get3A_1196] {strides = array<i32>} : memref<512xf32, #tpu.memory_space<vmem>>, vector<16xf32>,
    %get3A_1198 = vector.shape_cast %get3A_1197 : vector<16xf32> to vector<16xf32>
    %add3A_1199 = arith.constant 1.200000e+00 : f32
    %add3A_1200 = vector.broadcast %add3A_1199 : f32 to vector<16xf32>
    %add3A_1201 = arith.addf %get3A_1195, %add3A_1200 : vector<16xf32>
    %mul3A_1202 = arith.constant 568.888306 : f32
    %mul3A_1203 = vector.broadcast %mul3A_1202 : f32 to vector<16xf32>
    %mul3A_1204 = arith.mulf %add3A_1201, %mul3A_1203 : vector<16xf32>
    %convert_element_type3A_1205 = arith.fptosi %mul3A_1204 : vector<16xf32> to vector<16xi32>
    %add3A_1206 = arith.constant 7.000000e-02 : f32
    %add3A_1207 = vector.broadcast %add3A_1206 : f32 to vector<16xf32>
    %add3A_1208 = arith.addf %get3A_1198, %add3A_1207 : vector<16xf32>
    %mul3A_1209 = arith.constant 7314.2788 : f32
    %mul3A_1210 = vector.broadcast %mul3A_1209 : f32 to vector<16xf32>
    %mul3A_1211 = arith.mulf %add3A_1208, %mul3A_1210 : vector<16xf32>
    %convert_element_type3A_1212 = arith.fptosi %mul3A_1211 : vector<16xf32> to vector<16xi32>
    %shift_right_arithmetic3A_1213 = arith.constant 3 : i32
    %shift_right_arithmetic3A_1214 = vector.broadcast %shift_right_arithmetic3A_1213 : i32 to vector<16xi32>
    %shift_right_arithmetic3A_1215 = arith.shrsi %convert_element_type3A_1205, %shift_right_arithmetic3A_1214 : vector<16xi32>
    %shift_left3A_1216 = arith.constant 13 : i32
    %shift_left3A_1217 = vector.broadcast %shift_left3A_1216 : i32 to vector<16xi32>
    %shift_left3A_1218 = arith.shli %shift_right_arithmetic3A_1215, %shift_left3A_1217 : vector<16xi32>
    %and3A_1219 = arith.constant 7 : i32
    %and3A_1220 = vector.broadcast %and3A_1219 : i32 to vector<16xi32>
    %and3A_1221 = arith.andi %convert_element_type3A_1205, %and3A_1220 : vector<16xi32>
    %shift_left3A_1222 = arith.constant 7 : i32
    %shift_left3A_1223 = vector.broadcast %shift_left3A_1222 : i32 to vector<16xi32>
    %shift_left3A_1224 = arith.shli %and3A_1221, %shift_left3A_1223 : vector<16xi32>
    %add3A_1225 = arith.addi %shift_left3A_1218, %shift_left3A_1224 : vector<16xi32>
    %shift_right_arithmetic3A_1226 = arith.constant 7 : i32
    %shift_right_arithmetic3A_1227 = vector.broadcast %shift_right_arithmetic3A_1226 : i32 to vector<16xi32>
    %shift_right_arithmetic3A_1228 = arith.shrsi %convert_element_type3A_1212, %shift_right_arithmetic3A_1227 : vector<16xi32>
    %shift_left3A_1229 = arith.constant 10 : i32
    %shift_left3A_1230 = vector.broadcast %shift_left3A_1229 : i32 to vector<16xi32>
    %shift_left3A_1231 = arith.shli %shift_right_arithmetic3A_1228, %shift_left3A_1230 : vector<16xi32>
    %add3A_1232 = arith.addi %add3A_1225, %shift_left3A_1231 : vector<16xi32>
    %and3A_1233 = arith.constant 127 : i32
    %and3A_1234 = vector.broadcast %and3A_1233 : i32 to vector<16xi32>
    %and3A_1235 = arith.andi %convert_element_type3A_1212, %and3A_1234 : vector<16xi32>
    %add3A_1236 = arith.addi %add3A_1232, %and3A_1235 : vector<16xi32>
    %swap3A_1237 = arith.constant 0 : i32
    %swap3A_1238 = arith.index_cast %swap3A_1237 : i32 to index
    %swap3A_1239 = arith.constant 368 : index
    %swap3A_1240 = tpu.vector_load %arg7[%swap3A_1238, %swap3A_1239] {strides = array<i32>} : memref<1x512xi32, #tpu.memory_space<vmem>>, vector<1x16xi32>,
    %swap3A_1241 = vector.shape_cast %swap3A_1240 : vector<1x16xi32> to vector<16xi32>
    %swap3A_1242 = vector.shape_cast %add3A_1236 : vector<16xi32> to vector<1x16xi32>
    tpu.vector_store %arg7[%swap3A_1238, %swap3A_1239], %swap3A_1242 {strides = array<i32>} : memref<1x512xi32, #tpu.memory_space<vmem>>, vector<1x16xi32>,
    %dma_start3A_1243 = arith.constant 0 : i32
    %dma_start3A_1244 = arith.constant 0 : i32
    %dma_start3A_1245 = arith.constant 0 : i32
    %dma_start3A_1246 = arith.constant 256 : i32
    %dma_start3A_1247 = tpu.memref_slice %arg8[%dma_start3A_1245, %dma_start3A_1246] : memref<1x512xf32, #tpu.memory_space<vmem>> -> memref<1x128xf32, #tpu.memory_space<vmem>>
    %dma_start3A_1248 = tpu.memref_squeeze %dma_start3A_1247 : memref<1x128xf32, #tpu.memory_space<vmem>> -> memref<128xf32, #tpu.memory_space<vmem>>
    %dma_start3A_1249 = arith.constant 256 : i32
    %dma_start3A_1250 = tpu.memref_slice %arg7[%dma_start3A_1244, %dma_start3A_1249] : memref<1x512xi32, #tpu.memory_space<vmem>> -> memref<1x128xi32, #tpu.memory_space<vmem>>
    %dma_start3A_1251 = tpu.memref_squeeze %dma_start3A_1250 : memref<1x128xi32, #tpu.memory_space<vmem>> -> memref<128xi32, #tpu.memory_space<vmem>>
    %dma_start3A_1252 = arith.constant 0 : i32
    %dma_start3A_1253 = tpu.memref_slice %arg3[%dma_start3A_1243, %dma_start3A_1252] : memref<1024x1024xf32, #tpu.memory_space<hbm>> -> memref<1x128xf32, #tpu.memory_space<hbm>>
    %dma_start3A_1254 = tpu.memref_squeeze %dma_start3A_1253 : memref<1x128xf32, #tpu.memory_space<hbm>> -> memref<128xf32, #tpu.memory_space<hbm>>
    %dma_start3A_1255 = arith.constant 0 : i32
    %dma_start3A_1256 = tpu.memref_slice %dma_start3A_1254[%dma_start3A_1255] : memref<128xf32, #tpu.memory_space<hbm>> -> memref<128xf32, #tpu.memory_space<hbm>>
    tpu.enqueue_indirect_dma source(%dma_start3A_1256 : memref<128xf32, #tpu.memory_space<hbm>>) target(%dma_start3A_1248 : memref<128xf32, #tpu.memory_space<vmem>>) offsets(%dma_start3A_1251 : memref<128xi32, #tpu.memory_space<vmem>>) semaphore(%arg10 : memref<!tpu.dma_semaphore, #tpu.memory_space<semaphore_mem>>)
    %get3A_1257 = arith.constant 384 : index
    %get3A_1258 = tpu.vector_load %arg5[%get3A_1257] {strides = array<i32>} : memref<512xf32, #tpu.memory_space<vmem>>, vector<16xf32>,
    %get3A_1259 = vector.shape_cast %get3A_1258 : vector<16xf32> to vector<16xf32>
    %get3A_1260 = arith.constant 384 : index
    %get3A_1261 = tpu.vector_load %arg6[%get3A_1260] {strides = array<i32>} : memref<512xf32, #tpu.memory_space<vmem>>, vector<16xf32>,
    %get3A_1262 = vector.shape_cast %get3A_1261 : vector<16xf32> to vector<16xf32>
    %add3A_1263 = arith.constant 1.200000e+00 : f32
    %add3A_1264 = vector.broadcast %add3A_1263 : f32 to vector<16xf32>
    %add3A_1265 = arith.addf %get3A_1259, %add3A_1264 : vector<16xf32>
    %mul3A_1266 = arith.constant 568.888306 : f32
    %mul3A_1267 = vector.broadcast %mul3A_1266 : f32 to vector<16xf32>
    %mul3A_1268 = arith.mulf %add3A_1265, %mul3A_1267 : vector<16xf32>
    %convert_element_type3A_1269 = arith.fptosi %mul3A_1268 : vector<16xf32> to vector<16xi32>
    %add3A_1270 = arith.constant 7.000000e-02 : f32
    %add3A_1271 = vector.broadcast %add3A_1270 : f32 to vector<16xf32>
    %add3A_1272 = arith.addf %get3A_1262, %add3A_1271 : vector<16xf32>
    %mul3A_1273 = arith.constant 7314.2788 : f32
    %mul3A_1274 = vector.broadcast %mul3A_1273 : f32 to vector<16xf32>
    %mul3A_1275 = arith.mulf %add3A_1272, %mul3A_1274 : vector<16xf32>
    %convert_element_type3A_1276 = arith.fptosi %mul3A_1275 : vector<16xf32> to vector<16xi32>
    %shift_right_arithmetic3A_1277 = arith.constant 3 : i32
    %shift_right_arithmetic3A_1278 = vector.broadcast %shift_right_arithmetic3A_1277 : i32 to vector<16xi32>
    %shift_right_arithmetic3A_1279 = arith.shrsi %convert_element_type3A_1269, %shift_right_arithmetic3A_1278 : vector<16xi32>
    %shift_left3A_1280 = arith.constant 13 : i32
    %shift_left3A_1281 = vector.broadcast %shift_left3A_1280 : i32 to vector<16xi32>
    %shift_left3A_1282 = arith.shli %shift_right_arithmetic3A_1279, %shift_left3A_1281 : vector<16xi32>
    %and3A_1283 = arith.constant 7 : i32
    %and3A_1284 = vector.broadcast %and3A_1283 : i32 to vector<16xi32>
    %and3A_1285 = arith.andi %convert_element_type3A_1269, %and3A_1284 : vector<16xi32>
    %shift_left3A_1286 = arith.constant 7 : i32
    %shift_left3A_1287 = vector.broadcast %shift_left3A_1286 : i32 to vector<16xi32>
    %shift_left3A_1288 = arith.shli %and3A_1285, %shift_left3A_1287 : vector<16xi32>
    %add3A_1289 = arith.addi %shift_left3A_1282, %shift_left3A_1288 : vector<16xi32>
    %shift_right_arithmetic3A_1290 = arith.constant 7 : i32
    %shift_right_arithmetic3A_1291 = vector.broadcast %shift_right_arithmetic3A_1290 : i32 to vector<16xi32>
    %shift_right_arithmetic3A_1292 = arith.shrsi %convert_element_type3A_1276, %shift_right_arithmetic3A_1291 : vector<16xi32>
    %shift_left3A_1293 = arith.constant 10 : i32
    %shift_left3A_1294 = vector.broadcast %shift_left3A_1293 : i32 to vector<16xi32>
    %shift_left3A_1295 = arith.shli %shift_right_arithmetic3A_1292, %shift_left3A_1294 : vector<16xi32>
    %add3A_1296 = arith.addi %add3A_1289, %shift_left3A_1295 : vector<16xi32>
    %and3A_1297 = arith.constant 127 : i32
    %and3A_1298 = vector.broadcast %and3A_1297 : i32 to vector<16xi32>
    %and3A_1299 = arith.andi %convert_element_type3A_1276, %and3A_1298 : vector<16xi32>
    %add3A_1300 = arith.addi %add3A_1296, %and3A_1299 : vector<16xi32>
    %swap3A_1301 = arith.constant 0 : i32
    %swap3A_1302 = arith.index_cast %swap3A_1301 : i32 to index
    %swap3A_1303 = arith.constant 384 : index
    %swap3A_1304 = tpu.vector_load %arg7[%swap3A_1302, %swap3A_1303] {strides = array<i32>} : memref<1x512xi32, #tpu.memory_space<vmem>>, vector<1x16xi32>,
    %swap3A_1305 = vector.shape_cast %swap3A_1304 : vector<1x16xi32> to vector<16xi32>
    %swap3A_1306 = vector.shape_cast %add3A_1300 : vector<16xi32> to vector<1x16xi32>
    tpu.vector_store %arg7[%swap3A_1302, %swap3A_1303], %swap3A_1306 {strides = array<i32>} : memref<1x512xi32, #tpu.memory_space<vmem>>, vector<1x16xi32>,
    %get3A_1307 = arith.constant 400 : index
    %get3A_1308 = tpu.vector_load %arg5[%get3A_1307] {strides = array<i32>} : memref<512xf32, #tpu.memory_space<vmem>>, vector<16xf32>,
    %get3A_1309 = vector.shape_cast %get3A_1308 : vector<16xf32> to vector<16xf32>
    %get3A_1310 = arith.constant 400 : index
    %get3A_1311 = tpu.vector_load %arg6[%get3A_1310] {strides = array<i32>} : memref<512xf32, #tpu.memory_space<vmem>>, vector<16xf32>,
    %get3A_1312 = vector.shape_cast %get3A_1311 : vector<16xf32> to vector<16xf32>
    %add3A_1313 = arith.constant 1.200000e+00 : f32
    %add3A_1314 = vector.broadcast %add3A_1313 : f32 to vector<16xf32>
    %add3A_1315 = arith.addf %get3A_1309, %add3A_1314 : vector<16xf32>
    %mul3A_1316 = arith.constant 568.888306 : f32
    %mul3A_1317 = vector.broadcast %mul3A_1316 : f32 to vector<16xf32>
    %mul3A_1318 = arith.mulf %add3A_1315, %mul3A_1317 : vector<16xf32>
    %convert_element_type3A_1319 = arith.fptosi %mul3A_1318 : vector<16xf32> to vector<16xi32>
    %add3A_1320 = arith.constant 7.000000e-02 : f32
    %add3A_1321 = vector.broadcast %add3A_1320 : f32 to vector<16xf32>
    %add3A_1322 = arith.addf %get3A_1312, %add3A_1321 : vector<16xf32>
    %mul3A_1323 = arith.constant 7314.2788 : f32
    %mul3A_1324 = vector.broadcast %mul3A_1323 : f32 to vector<16xf32>
    %mul3A_1325 = arith.mulf %add3A_1322, %mul3A_1324 : vector<16xf32>
    %convert_element_type3A_1326 = arith.fptosi %mul3A_1325 : vector<16xf32> to vector<16xi32>
    %shift_right_arithmetic3A_1327 = arith.constant 3 : i32
    %shift_right_arithmetic3A_1328 = vector.broadcast %shift_right_arithmetic3A_1327 : i32 to vector<16xi32>
    %shift_right_arithmetic3A_1329 = arith.shrsi %convert_element_type3A_1319, %shift_right_arithmetic3A_1328 : vector<16xi32>
    %shift_left3A_1330 = arith.constant 13 : i32
    %shift_left3A_1331 = vector.broadcast %shift_left3A_1330 : i32 to vector<16xi32>
    %shift_left3A_1332 = arith.shli %shift_right_arithmetic3A_1329, %shift_left3A_1331 : vector<16xi32>
    %and3A_1333 = arith.constant 7 : i32
    %and3A_1334 = vector.broadcast %and3A_1333 : i32 to vector<16xi32>
    %and3A_1335 = arith.andi %convert_element_type3A_1319, %and3A_1334 : vector<16xi32>
    %shift_left3A_1336 = arith.constant 7 : i32
    %shift_left3A_1337 = vector.broadcast %shift_left3A_1336 : i32 to vector<16xi32>
    %shift_left3A_1338 = arith.shli %and3A_1335, %shift_left3A_1337 : vector<16xi32>
    %add3A_1339 = arith.addi %shift_left3A_1332, %shift_left3A_1338 : vector<16xi32>
    %shift_right_arithmetic3A_1340 = arith.constant 7 : i32
    %shift_right_arithmetic3A_1341 = vector.broadcast %shift_right_arithmetic3A_1340 : i32 to vector<16xi32>
    %shift_right_arithmetic3A_1342 = arith.shrsi %convert_element_type3A_1326, %shift_right_arithmetic3A_1341 : vector<16xi32>
    %shift_left3A_1343 = arith.constant 10 : i32
    %shift_left3A_1344 = vector.broadcast %shift_left3A_1343 : i32 to vector<16xi32>
    %shift_left3A_1345 = arith.shli %shift_right_arithmetic3A_1342, %shift_left3A_1344 : vector<16xi32>
    %add3A_1346 = arith.addi %add3A_1339, %shift_left3A_1345 : vector<16xi32>
    %and3A_1347 = arith.constant 127 : i32
    %and3A_1348 = vector.broadcast %and3A_1347 : i32 to vector<16xi32>
    %and3A_1349 = arith.andi %convert_element_type3A_1326, %and3A_1348 : vector<16xi32>
    %add3A_1350 = arith.addi %add3A_1346, %and3A_1349 : vector<16xi32>
    %swap3A_1351 = arith.constant 0 : i32
    %swap3A_1352 = arith.index_cast %swap3A_1351 : i32 to index
    %swap3A_1353 = arith.constant 400 : index
    %swap3A_1354 = tpu.vector_load %arg7[%swap3A_1352, %swap3A_1353] {strides = array<i32>} : memref<1x512xi32, #tpu.memory_space<vmem>>, vector<1x16xi32>,
    %swap3A_1355 = vector.shape_cast %swap3A_1354 : vector<1x16xi32> to vector<16xi32>
    %swap3A_1356 = vector.shape_cast %add3A_1350 : vector<16xi32> to vector<1x16xi32>
    tpu.vector_store %arg7[%swap3A_1352, %swap3A_1353], %swap3A_1356 {strides = array<i32>} : memref<1x512xi32, #tpu.memory_space<vmem>>, vector<1x16xi32>,
    %get3A_1357 = arith.constant 416 : index
    %get3A_1358 = tpu.vector_load %arg5[%get3A_1357] {strides = array<i32>} : memref<512xf32, #tpu.memory_space<vmem>>, vector<16xf32>,
    %get3A_1359 = vector.shape_cast %get3A_1358 : vector<16xf32> to vector<16xf32>
    %get3A_1360 = arith.constant 416 : index
    %get3A_1361 = tpu.vector_load %arg6[%get3A_1360] {strides = array<i32>} : memref<512xf32, #tpu.memory_space<vmem>>, vector<16xf32>,
    %get3A_1362 = vector.shape_cast %get3A_1361 : vector<16xf32> to vector<16xf32>
    %add3A_1363 = arith.constant 1.200000e+00 : f32
    %add3A_1364 = vector.broadcast %add3A_1363 : f32 to vector<16xf32>
    %add3A_1365 = arith.addf %get3A_1359, %add3A_1364 : vector<16xf32>
    %mul3A_1366 = arith.constant 568.888306 : f32
    %mul3A_1367 = vector.broadcast %mul3A_1366 : f32 to vector<16xf32>
    %mul3A_1368 = arith.mulf %add3A_1365, %mul3A_1367 : vector<16xf32>
    %convert_element_type3A_1369 = arith.fptosi %mul3A_1368 : vector<16xf32> to vector<16xi32>
    %add3A_1370 = arith.constant 7.000000e-02 : f32
    %add3A_1371 = vector.broadcast %add3A_1370 : f32 to vector<16xf32>
    %add3A_1372 = arith.addf %get3A_1362, %add3A_1371 : vector<16xf32>
    %mul3A_1373 = arith.constant 7314.2788 : f32
    %mul3A_1374 = vector.broadcast %mul3A_1373 : f32 to vector<16xf32>
    %mul3A_1375 = arith.mulf %add3A_1372, %mul3A_1374 : vector<16xf32>
    %convert_element_type3A_1376 = arith.fptosi %mul3A_1375 : vector<16xf32> to vector<16xi32>
    %shift_right_arithmetic3A_1377 = arith.constant 3 : i32
    %shift_right_arithmetic3A_1378 = vector.broadcast %shift_right_arithmetic3A_1377 : i32 to vector<16xi32>
    %shift_right_arithmetic3A_1379 = arith.shrsi %convert_element_type3A_1369, %shift_right_arithmetic3A_1378 : vector<16xi32>
    %shift_left3A_1380 = arith.constant 13 : i32
    %shift_left3A_1381 = vector.broadcast %shift_left3A_1380 : i32 to vector<16xi32>
    %shift_left3A_1382 = arith.shli %shift_right_arithmetic3A_1379, %shift_left3A_1381 : vector<16xi32>
    %and3A_1383 = arith.constant 7 : i32
    %and3A_1384 = vector.broadcast %and3A_1383 : i32 to vector<16xi32>
    %and3A_1385 = arith.andi %convert_element_type3A_1369, %and3A_1384 : vector<16xi32>
    %shift_left3A_1386 = arith.constant 7 : i32
    %shift_left3A_1387 = vector.broadcast %shift_left3A_1386 : i32 to vector<16xi32>
    %shift_left3A_1388 = arith.shli %and3A_1385, %shift_left3A_1387 : vector<16xi32>
    %add3A_1389 = arith.addi %shift_left3A_1382, %shift_left3A_1388 : vector<16xi32>
    %shift_right_arithmetic3A_1390 = arith.constant 7 : i32
    %shift_right_arithmetic3A_1391 = vector.broadcast %shift_right_arithmetic3A_1390 : i32 to vector<16xi32>
    %shift_right_arithmetic3A_1392 = arith.shrsi %convert_element_type3A_1376, %shift_right_arithmetic3A_1391 : vector<16xi32>
    %shift_left3A_1393 = arith.constant 10 : i32
    %shift_left3A_1394 = vector.broadcast %shift_left3A_1393 : i32 to vector<16xi32>
    %shift_left3A_1395 = arith.shli %shift_right_arithmetic3A_1392, %shift_left3A_1394 : vector<16xi32>
    %add3A_1396 = arith.addi %add3A_1389, %shift_left3A_1395 : vector<16xi32>
    %and3A_1397 = arith.constant 127 : i32
    %and3A_1398 = vector.broadcast %and3A_1397 : i32 to vector<16xi32>
    %and3A_1399 = arith.andi %convert_element_type3A_1376, %and3A_1398 : vector<16xi32>
    %add3A_1400 = arith.addi %add3A_1396, %and3A_1399 : vector<16xi32>
    %swap3A_1401 = arith.constant 0 : i32
    %swap3A_1402 = arith.index_cast %swap3A_1401 : i32 to index
    %swap3A_1403 = arith.constant 416 : index
    %swap3A_1404 = tpu.vector_load %arg7[%swap3A_1402, %swap3A_1403] {strides = array<i32>} : memref<1x512xi32, #tpu.memory_space<vmem>>, vector<1x16xi32>,
    %swap3A_1405 = vector.shape_cast %swap3A_1404 : vector<1x16xi32> to vector<16xi32>
    %swap3A_1406 = vector.shape_cast %add3A_1400 : vector<16xi32> to vector<1x16xi32>
    tpu.vector_store %arg7[%swap3A_1402, %swap3A_1403], %swap3A_1406 {strides = array<i32>} : memref<1x512xi32, #tpu.memory_space<vmem>>, vector<1x16xi32>,
    %get3A_1407 = arith.constant 432 : index
    %get3A_1408 = tpu.vector_load %arg5[%get3A_1407] {strides = array<i32>} : memref<512xf32, #tpu.memory_space<vmem>>, vector<16xf32>,
    %get3A_1409 = vector.shape_cast %get3A_1408 : vector<16xf32> to vector<16xf32>
    %get3A_1410 = arith.constant 432 : index
    %get3A_1411 = tpu.vector_load %arg6[%get3A_1410] {strides = array<i32>} : memref<512xf32, #tpu.memory_space<vmem>>, vector<16xf32>,
    %get3A_1412 = vector.shape_cast %get3A_1411 : vector<16xf32> to vector<16xf32>
    %add3A_1413 = arith.constant 1.200000e+00 : f32
    %add3A_1414 = vector.broadcast %add3A_1413 : f32 to vector<16xf32>
    %add3A_1415 = arith.addf %get3A_1409, %add3A_1414 : vector<16xf32>
    %mul3A_1416 = arith.constant 568.888306 : f32
    %mul3A_1417 = vector.broadcast %mul3A_1416 : f32 to vector<16xf32>
    %mul3A_1418 = arith.mulf %add3A_1415, %mul3A_1417 : vector<16xf32>
    %convert_element_type3A_1419 = arith.fptosi %mul3A_1418 : vector<16xf32> to vector<16xi32>
    %add3A_1420 = arith.constant 7.000000e-02 : f32
    %add3A_1421 = vector.broadcast %add3A_1420 : f32 to vector<16xf32>
    %add3A_1422 = arith.addf %get3A_1412, %add3A_1421 : vector<16xf32>
    %mul3A_1423 = arith.constant 7314.2788 : f32
    %mul3A_1424 = vector.broadcast %mul3A_1423 : f32 to vector<16xf32>
    %mul3A_1425 = arith.mulf %add3A_1422, %mul3A_1424 : vector<16xf32>
    %convert_element_type3A_1426 = arith.fptosi %mul3A_1425 : vector<16xf32> to vector<16xi32>
    %shift_right_arithmetic3A_1427 = arith.constant 3 : i32
    %shift_right_arithmetic3A_1428 = vector.broadcast %shift_right_arithmetic3A_1427 : i32 to vector<16xi32>
    %shift_right_arithmetic3A_1429 = arith.shrsi %convert_element_type3A_1419, %shift_right_arithmetic3A_1428 : vector<16xi32>
    %shift_left3A_1430 = arith.constant 13 : i32
    %shift_left3A_1431 = vector.broadcast %shift_left3A_1430 : i32 to vector<16xi32>
    %shift_left3A_1432 = arith.shli %shift_right_arithmetic3A_1429, %shift_left3A_1431 : vector<16xi32>
    %and3A_1433 = arith.constant 7 : i32
    %and3A_1434 = vector.broadcast %and3A_1433 : i32 to vector<16xi32>
    %and3A_1435 = arith.andi %convert_element_type3A_1419, %and3A_1434 : vector<16xi32>
    %shift_left3A_1436 = arith.constant 7 : i32
    %shift_left3A_1437 = vector.broadcast %shift_left3A_1436 : i32 to vector<16xi32>
    %shift_left3A_1438 = arith.shli %and3A_1435, %shift_left3A_1437 : vector<16xi32>
    %add3A_1439 = arith.addi %shift_left3A_1432, %shift_left3A_1438 : vector<16xi32>
    %shift_right_arithmetic3A_1440 = arith.constant 7 : i32
    %shift_right_arithmetic3A_1441 = vector.broadcast %shift_right_arithmetic3A_1440 : i32 to vector<16xi32>
    %shift_right_arithmetic3A_1442 = arith.shrsi %convert_element_type3A_1426, %shift_right_arithmetic3A_1441 : vector<16xi32>
    %shift_left3A_1443 = arith.constant 10 : i32
    %shift_left3A_1444 = vector.broadcast %shift_left3A_1443 : i32 to vector<16xi32>
    %shift_left3A_1445 = arith.shli %shift_right_arithmetic3A_1442, %shift_left3A_1444 : vector<16xi32>
    %add3A_1446 = arith.addi %add3A_1439, %shift_left3A_1445 : vector<16xi32>
    %and3A_1447 = arith.constant 127 : i32
    %and3A_1448 = vector.broadcast %and3A_1447 : i32 to vector<16xi32>
    %and3A_1449 = arith.andi %convert_element_type3A_1426, %and3A_1448 : vector<16xi32>
    %add3A_1450 = arith.addi %add3A_1446, %and3A_1449 : vector<16xi32>
    %swap3A_1451 = arith.constant 0 : i32
    %swap3A_1452 = arith.index_cast %swap3A_1451 : i32 to index
    %swap3A_1453 = arith.constant 432 : index
    %swap3A_1454 = tpu.vector_load %arg7[%swap3A_1452, %swap3A_1453] {strides = array<i32>} : memref<1x512xi32, #tpu.memory_space<vmem>>, vector<1x16xi32>,
    %swap3A_1455 = vector.shape_cast %swap3A_1454 : vector<1x16xi32> to vector<16xi32>
    %swap3A_1456 = vector.shape_cast %add3A_1450 : vector<16xi32> to vector<1x16xi32>
    tpu.vector_store %arg7[%swap3A_1452, %swap3A_1453], %swap3A_1456 {strides = array<i32>} : memref<1x512xi32, #tpu.memory_space<vmem>>, vector<1x16xi32>,
    %get3A_1457 = arith.constant 448 : index
    %get3A_1458 = tpu.vector_load %arg5[%get3A_1457] {strides = array<i32>} : memref<512xf32, #tpu.memory_space<vmem>>, vector<16xf32>,
    %get3A_1459 = vector.shape_cast %get3A_1458 : vector<16xf32> to vector<16xf32>
    %get3A_1460 = arith.constant 448 : index
    %get3A_1461 = tpu.vector_load %arg6[%get3A_1460] {strides = array<i32>} : memref<512xf32, #tpu.memory_space<vmem>>, vector<16xf32>,
    %get3A_1462 = vector.shape_cast %get3A_1461 : vector<16xf32> to vector<16xf32>
    %add3A_1463 = arith.constant 1.200000e+00 : f32
    %add3A_1464 = vector.broadcast %add3A_1463 : f32 to vector<16xf32>
    %add3A_1465 = arith.addf %get3A_1459, %add3A_1464 : vector<16xf32>
    %mul3A_1466 = arith.constant 568.888306 : f32
    %mul3A_1467 = vector.broadcast %mul3A_1466 : f32 to vector<16xf32>
    %mul3A_1468 = arith.mulf %add3A_1465, %mul3A_1467 : vector<16xf32>
    %convert_element_type3A_1469 = arith.fptosi %mul3A_1468 : vector<16xf32> to vector<16xi32>
    %add3A_1470 = arith.constant 7.000000e-02 : f32
    %add3A_1471 = vector.broadcast %add3A_1470 : f32 to vector<16xf32>
    %add3A_1472 = arith.addf %get3A_1462, %add3A_1471 : vector<16xf32>
    %mul3A_1473 = arith.constant 7314.2788 : f32
    %mul3A_1474 = vector.broadcast %mul3A_1473 : f32 to vector<16xf32>
    %mul3A_1475 = arith.mulf %add3A_1472, %mul3A_1474 : vector<16xf32>
    %convert_element_type3A_1476 = arith.fptosi %mul3A_1475 : vector<16xf32> to vector<16xi32>
    %shift_right_arithmetic3A_1477 = arith.constant 3 : i32
    %shift_right_arithmetic3A_1478 = vector.broadcast %shift_right_arithmetic3A_1477 : i32 to vector<16xi32>
    %shift_right_arithmetic3A_1479 = arith.shrsi %convert_element_type3A_1469, %shift_right_arithmetic3A_1478 : vector<16xi32>
    %shift_left3A_1480 = arith.constant 13 : i32
    %shift_left3A_1481 = vector.broadcast %shift_left3A_1480 : i32 to vector<16xi32>
    %shift_left3A_1482 = arith.shli %shift_right_arithmetic3A_1479, %shift_left3A_1481 : vector<16xi32>
    %and3A_1483 = arith.constant 7 : i32
    %and3A_1484 = vector.broadcast %and3A_1483 : i32 to vector<16xi32>
    %and3A_1485 = arith.andi %convert_element_type3A_1469, %and3A_1484 : vector<16xi32>
    %shift_left3A_1486 = arith.constant 7 : i32
    %shift_left3A_1487 = vector.broadcast %shift_left3A_1486 : i32 to vector<16xi32>
    %shift_left3A_1488 = arith.shli %and3A_1485, %shift_left3A_1487 : vector<16xi32>
    %add3A_1489 = arith.addi %shift_left3A_1482, %shift_left3A_1488 : vector<16xi32>
    %shift_right_arithmetic3A_1490 = arith.constant 7 : i32
    %shift_right_arithmetic3A_1491 = vector.broadcast %shift_right_arithmetic3A_1490 : i32 to vector<16xi32>
    %shift_right_arithmetic3A_1492 = arith.shrsi %convert_element_type3A_1476, %shift_right_arithmetic3A_1491 : vector<16xi32>
    %shift_left3A_1493 = arith.constant 10 : i32
    %shift_left3A_1494 = vector.broadcast %shift_left3A_1493 : i32 to vector<16xi32>
    %shift_left3A_1495 = arith.shli %shift_right_arithmetic3A_1492, %shift_left3A_1494 : vector<16xi32>
    %add3A_1496 = arith.addi %add3A_1489, %shift_left3A_1495 : vector<16xi32>
    %and3A_1497 = arith.constant 127 : i32
    %and3A_1498 = vector.broadcast %and3A_1497 : i32 to vector<16xi32>
    %and3A_1499 = arith.andi %convert_element_type3A_1476, %and3A_1498 : vector<16xi32>
    %add3A_1500 = arith.addi %add3A_1496, %and3A_1499 : vector<16xi32>
    %swap3A_1501 = arith.constant 0 : i32
    %swap3A_1502 = arith.index_cast %swap3A_1501 : i32 to index
    %swap3A_1503 = arith.constant 448 : index
    %swap3A_1504 = tpu.vector_load %arg7[%swap3A_1502, %swap3A_1503] {strides = array<i32>} : memref<1x512xi32, #tpu.memory_space<vmem>>, vector<1x16xi32>,
    %swap3A_1505 = vector.shape_cast %swap3A_1504 : vector<1x16xi32> to vector<16xi32>
    %swap3A_1506 = vector.shape_cast %add3A_1500 : vector<16xi32> to vector<1x16xi32>
    tpu.vector_store %arg7[%swap3A_1502, %swap3A_1503], %swap3A_1506 {strides = array<i32>} : memref<1x512xi32, #tpu.memory_space<vmem>>, vector<1x16xi32>,
    %get3A_1507 = arith.constant 464 : index
    %get3A_1508 = tpu.vector_load %arg5[%get3A_1507] {strides = array<i32>} : memref<512xf32, #tpu.memory_space<vmem>>, vector<16xf32>,
    %get3A_1509 = vector.shape_cast %get3A_1508 : vector<16xf32> to vector<16xf32>
    %get3A_1510 = arith.constant 464 : index
    %get3A_1511 = tpu.vector_load %arg6[%get3A_1510] {strides = array<i32>} : memref<512xf32, #tpu.memory_space<vmem>>, vector<16xf32>,
    %get3A_1512 = vector.shape_cast %get3A_1511 : vector<16xf32> to vector<16xf32>
    %add3A_1513 = arith.constant 1.200000e+00 : f32
    %add3A_1514 = vector.broadcast %add3A_1513 : f32 to vector<16xf32>
    %add3A_1515 = arith.addf %get3A_1509, %add3A_1514 : vector<16xf32>
    %mul3A_1516 = arith.constant 568.888306 : f32
    %mul3A_1517 = vector.broadcast %mul3A_1516 : f32 to vector<16xf32>
    %mul3A_1518 = arith.mulf %add3A_1515, %mul3A_1517 : vector<16xf32>
    %convert_element_type3A_1519 = arith.fptosi %mul3A_1518 : vector<16xf32> to vector<16xi32>
    %add3A_1520 = arith.constant 7.000000e-02 : f32
    %add3A_1521 = vector.broadcast %add3A_1520 : f32 to vector<16xf32>
    %add3A_1522 = arith.addf %get3A_1512, %add3A_1521 : vector<16xf32>
    %mul3A_1523 = arith.constant 7314.2788 : f32
    %mul3A_1524 = vector.broadcast %mul3A_1523 : f32 to vector<16xf32>
    %mul3A_1525 = arith.mulf %add3A_1522, %mul3A_1524 : vector<16xf32>
    %convert_element_type3A_1526 = arith.fptosi %mul3A_1525 : vector<16xf32> to vector<16xi32>
    %shift_right_arithmetic3A_1527 = arith.constant 3 : i32
    %shift_right_arithmetic3A_1528 = vector.broadcast %shift_right_arithmetic3A_1527 : i32 to vector<16xi32>
    %shift_right_arithmetic3A_1529 = arith.shrsi %convert_element_type3A_1519, %shift_right_arithmetic3A_1528 : vector<16xi32>
    %shift_left3A_1530 = arith.constant 13 : i32
    %shift_left3A_1531 = vector.broadcast %shift_left3A_1530 : i32 to vector<16xi32>
    %shift_left3A_1532 = arith.shli %shift_right_arithmetic3A_1529, %shift_left3A_1531 : vector<16xi32>
    %and3A_1533 = arith.constant 7 : i32
    %and3A_1534 = vector.broadcast %and3A_1533 : i32 to vector<16xi32>
    %and3A_1535 = arith.andi %convert_element_type3A_1519, %and3A_1534 : vector<16xi32>
    %shift_left3A_1536 = arith.constant 7 : i32
    %shift_left3A_1537 = vector.broadcast %shift_left3A_1536 : i32 to vector<16xi32>
    %shift_left3A_1538 = arith.shli %and3A_1535, %shift_left3A_1537 : vector<16xi32>
    %add3A_1539 = arith.addi %shift_left3A_1532, %shift_left3A_1538 : vector<16xi32>
    %shift_right_arithmetic3A_1540 = arith.constant 7 : i32
    %shift_right_arithmetic3A_1541 = vector.broadcast %shift_right_arithmetic3A_1540 : i32 to vector<16xi32>
    %shift_right_arithmetic3A_1542 = arith.shrsi %convert_element_type3A_1526, %shift_right_arithmetic3A_1541 : vector<16xi32>
    %shift_left3A_1543 = arith.constant 10 : i32
    %shift_left3A_1544 = vector.broadcast %shift_left3A_1543 : i32 to vector<16xi32>
    %shift_left3A_1545 = arith.shli %shift_right_arithmetic3A_1542, %shift_left3A_1544 : vector<16xi32>
    %add3A_1546 = arith.addi %add3A_1539, %shift_left3A_1545 : vector<16xi32>
    %and3A_1547 = arith.constant 127 : i32
    %and3A_1548 = vector.broadcast %and3A_1547 : i32 to vector<16xi32>
    %and3A_1549 = arith.andi %convert_element_type3A_1526, %and3A_1548 : vector<16xi32>
    %add3A_1550 = arith.addi %add3A_1546, %and3A_1549 : vector<16xi32>
    %swap3A_1551 = arith.constant 0 : i32
    %swap3A_1552 = arith.index_cast %swap3A_1551 : i32 to index
    %swap3A_1553 = arith.constant 464 : index
    %swap3A_1554 = tpu.vector_load %arg7[%swap3A_1552, %swap3A_1553] {strides = array<i32>} : memref<1x512xi32, #tpu.memory_space<vmem>>, vector<1x16xi32>,
    %swap3A_1555 = vector.shape_cast %swap3A_1554 : vector<1x16xi32> to vector<16xi32>
    %swap3A_1556 = vector.shape_cast %add3A_1550 : vector<16xi32> to vector<1x16xi32>
    tpu.vector_store %arg7[%swap3A_1552, %swap3A_1553], %swap3A_1556 {strides = array<i32>} : memref<1x512xi32, #tpu.memory_space<vmem>>, vector<1x16xi32>,
    %get3A_1557 = arith.constant 480 : index
    %get3A_1558 = tpu.vector_load %arg5[%get3A_1557] {strides = array<i32>} : memref<512xf32, #tpu.memory_space<vmem>>, vector<16xf32>,
    %get3A_1559 = vector.shape_cast %get3A_1558 : vector<16xf32> to vector<16xf32>
    %get3A_1560 = arith.constant 480 : index
    %get3A_1561 = tpu.vector_load %arg6[%get3A_1560] {strides = array<i32>} : memref<512xf32, #tpu.memory_space<vmem>>, vector<16xf32>,
    %get3A_1562 = vector.shape_cast %get3A_1561 : vector<16xf32> to vector<16xf32>
    %add3A_1563 = arith.constant 1.200000e+00 : f32
    %add3A_1564 = vector.broadcast %add3A_1563 : f32 to vector<16xf32>
    %add3A_1565 = arith.addf %get3A_1559, %add3A_1564 : vector<16xf32>
    %mul3A_1566 = arith.constant 568.888306 : f32
    %mul3A_1567 = vector.broadcast %mul3A_1566 : f32 to vector<16xf32>
    %mul3A_1568 = arith.mulf %add3A_1565, %mul3A_1567 : vector<16xf32>
    %convert_element_type3A_1569 = arith.fptosi %mul3A_1568 : vector<16xf32> to vector<16xi32>
    %add3A_1570 = arith.constant 7.000000e-02 : f32
    %add3A_1571 = vector.broadcast %add3A_1570 : f32 to vector<16xf32>
    %add3A_1572 = arith.addf %get3A_1562, %add3A_1571 : vector<16xf32>
    %mul3A_1573 = arith.constant 7314.2788 : f32
    %mul3A_1574 = vector.broadcast %mul3A_1573 : f32 to vector<16xf32>
    %mul3A_1575 = arith.mulf %add3A_1572, %mul3A_1574 : vector<16xf32>
    %convert_element_type3A_1576 = arith.fptosi %mul3A_1575 : vector<16xf32> to vector<16xi32>
    %shift_right_arithmetic3A_1577 = arith.constant 3 : i32
    %shift_right_arithmetic3A_1578 = vector.broadcast %shift_right_arithmetic3A_1577 : i32 to vector<16xi32>
    %shift_right_arithmetic3A_1579 = arith.shrsi %convert_element_type3A_1569, %shift_right_arithmetic3A_1578 : vector<16xi32>
    %shift_left3A_1580 = arith.constant 13 : i32
    %shift_left3A_1581 = vector.broadcast %shift_left3A_1580 : i32 to vector<16xi32>
    %shift_left3A_1582 = arith.shli %shift_right_arithmetic3A_1579, %shift_left3A_1581 : vector<16xi32>
    %and3A_1583 = arith.constant 7 : i32
    %and3A_1584 = vector.broadcast %and3A_1583 : i32 to vector<16xi32>
    %and3A_1585 = arith.andi %convert_element_type3A_1569, %and3A_1584 : vector<16xi32>
    %shift_left3A_1586 = arith.constant 7 : i32
    %shift_left3A_1587 = vector.broadcast %shift_left3A_1586 : i32 to vector<16xi32>
    %shift_left3A_1588 = arith.shli %and3A_1585, %shift_left3A_1587 : vector<16xi32>
    %add3A_1589 = arith.addi %shift_left3A_1582, %shift_left3A_1588 : vector<16xi32>
    %shift_right_arithmetic3A_1590 = arith.constant 7 : i32
    %shift_right_arithmetic3A_1591 = vector.broadcast %shift_right_arithmetic3A_1590 : i32 to vector<16xi32>
    %shift_right_arithmetic3A_1592 = arith.shrsi %convert_element_type3A_1576, %shift_right_arithmetic3A_1591 : vector<16xi32>
    %shift_left3A_1593 = arith.constant 10 : i32
    %shift_left3A_1594 = vector.broadcast %shift_left3A_1593 : i32 to vector<16xi32>
    %shift_left3A_1595 = arith.shli %shift_right_arithmetic3A_1592, %shift_left3A_1594 : vector<16xi32>
    %add3A_1596 = arith.addi %add3A_1589, %shift_left3A_1595 : vector<16xi32>
    %and3A_1597 = arith.constant 127 : i32
    %and3A_1598 = vector.broadcast %and3A_1597 : i32 to vector<16xi32>
    %and3A_1599 = arith.andi %convert_element_type3A_1576, %and3A_1598 : vector<16xi32>
    %add3A_1600 = arith.addi %add3A_1596, %and3A_1599 : vector<16xi32>
    %swap3A_1601 = arith.constant 0 : i32
    %swap3A_1602 = arith.index_cast %swap3A_1601 : i32 to index
    %swap3A_1603 = arith.constant 480 : index
    %swap3A_1604 = tpu.vector_load %arg7[%swap3A_1602, %swap3A_1603] {strides = array<i32>} : memref<1x512xi32, #tpu.memory_space<vmem>>, vector<1x16xi32>,
    %swap3A_1605 = vector.shape_cast %swap3A_1604 : vector<1x16xi32> to vector<16xi32>
    %swap3A_1606 = vector.shape_cast %add3A_1600 : vector<16xi32> to vector<1x16xi32>
    tpu.vector_store %arg7[%swap3A_1602, %swap3A_1603], %swap3A_1606 {strides = array<i32>} : memref<1x512xi32, #tpu.memory_space<vmem>>, vector<1x16xi32>,
    %get3A_1607 = arith.constant 496 : index
    %get3A_1608 = tpu.vector_load %arg5[%get3A_1607] {strides = array<i32>} : memref<512xf32, #tpu.memory_space<vmem>>, vector<16xf32>,
    %get3A_1609 = vector.shape_cast %get3A_1608 : vector<16xf32> to vector<16xf32>
    %get3A_1610 = arith.constant 496 : index
    %get3A_1611 = tpu.vector_load %arg6[%get3A_1610] {strides = array<i32>} : memref<512xf32, #tpu.memory_space<vmem>>, vector<16xf32>,
    %get3A_1612 = vector.shape_cast %get3A_1611 : vector<16xf32> to vector<16xf32>
    %add3A_1613 = arith.constant 1.200000e+00 : f32
    %add3A_1614 = vector.broadcast %add3A_1613 : f32 to vector<16xf32>
    %add3A_1615 = arith.addf %get3A_1609, %add3A_1614 : vector<16xf32>
    %mul3A_1616 = arith.constant 568.888306 : f32
    %mul3A_1617 = vector.broadcast %mul3A_1616 : f32 to vector<16xf32>
    %mul3A_1618 = arith.mulf %add3A_1615, %mul3A_1617 : vector<16xf32>
    %convert_element_type3A_1619 = arith.fptosi %mul3A_1618 : vector<16xf32> to vector<16xi32>
    %add3A_1620 = arith.constant 7.000000e-02 : f32
    %add3A_1621 = vector.broadcast %add3A_1620 : f32 to vector<16xf32>
    %add3A_1622 = arith.addf %get3A_1612, %add3A_1621 : vector<16xf32>
    %mul3A_1623 = arith.constant 7314.2788 : f32
    %mul3A_1624 = vector.broadcast %mul3A_1623 : f32 to vector<16xf32>
    %mul3A_1625 = arith.mulf %add3A_1622, %mul3A_1624 : vector<16xf32>
    %convert_element_type3A_1626 = arith.fptosi %mul3A_1625 : vector<16xf32> to vector<16xi32>
    %shift_right_arithmetic3A_1627 = arith.constant 3 : i32
    %shift_right_arithmetic3A_1628 = vector.broadcast %shift_right_arithmetic3A_1627 : i32 to vector<16xi32>
    %shift_right_arithmetic3A_1629 = arith.shrsi %convert_element_type3A_1619, %shift_right_arithmetic3A_1628 : vector<16xi32>
    %shift_left3A_1630 = arith.constant 13 : i32
    %shift_left3A_1631 = vector.broadcast %shift_left3A_1630 : i32 to vector<16xi32>
    %shift_left3A_1632 = arith.shli %shift_right_arithmetic3A_1629, %shift_left3A_1631 : vector<16xi32>
    %and3A_1633 = arith.constant 7 : i32
    %and3A_1634 = vector.broadcast %and3A_1633 : i32 to vector<16xi32>
    %and3A_1635 = arith.andi %convert_element_type3A_1619, %and3A_1634 : vector<16xi32>
    %shift_left3A_1636 = arith.constant 7 : i32
    %shift_left3A_1637 = vector.broadcast %shift_left3A_1636 : i32 to vector<16xi32>
    %shift_left3A_1638 = arith.shli %and3A_1635, %shift_left3A_1637 : vector<16xi32>
    %add3A_1639 = arith.addi %shift_left3A_1632, %shift_left3A_1638 : vector<16xi32>
    %shift_right_arithmetic3A_1640 = arith.constant 7 : i32
    %shift_right_arithmetic3A_1641 = vector.broadcast %shift_right_arithmetic3A_1640 : i32 to vector<16xi32>
    %shift_right_arithmetic3A_1642 = arith.shrsi %convert_element_type3A_1626, %shift_right_arithmetic3A_1641 : vector<16xi32>
    %shift_left3A_1643 = arith.constant 10 : i32
    %shift_left3A_1644 = vector.broadcast %shift_left3A_1643 : i32 to vector<16xi32>
    %shift_left3A_1645 = arith.shli %shift_right_arithmetic3A_1642, %shift_left3A_1644 : vector<16xi32>
    %add3A_1646 = arith.addi %add3A_1639, %shift_left3A_1645 : vector<16xi32>
    %and3A_1647 = arith.constant 127 : i32
    %and3A_1648 = vector.broadcast %and3A_1647 : i32 to vector<16xi32>
    %and3A_1649 = arith.andi %convert_element_type3A_1626, %and3A_1648 : vector<16xi32>
    %add3A_1650 = arith.addi %add3A_1646, %and3A_1649 : vector<16xi32>
    %swap3A_1651 = arith.constant 0 : i32
    %swap3A_1652 = arith.index_cast %swap3A_1651 : i32 to index
    %swap3A_1653 = arith.constant 496 : index
    %swap3A_1654 = tpu.vector_load %arg7[%swap3A_1652, %swap3A_1653] {strides = array<i32>} : memref<1x512xi32, #tpu.memory_space<vmem>>, vector<1x16xi32>,
    %swap3A_1655 = vector.shape_cast %swap3A_1654 : vector<1x16xi32> to vector<16xi32>
    %swap3A_1656 = vector.shape_cast %add3A_1650 : vector<16xi32> to vector<1x16xi32>
    tpu.vector_store %arg7[%swap3A_1652, %swap3A_1653], %swap3A_1656 {strides = array<i32>} : memref<1x512xi32, #tpu.memory_space<vmem>>, vector<1x16xi32>,
    %dma_start3A_1657 = arith.constant 0 : i32
    %dma_start3A_1658 = arith.constant 0 : i32
    %dma_start3A_1659 = arith.constant 0 : i32
    %dma_start3A_1660 = arith.constant 384 : i32
    %dma_start3A_1661 = tpu.memref_slice %arg8[%dma_start3A_1659, %dma_start3A_1660] : memref<1x512xf32, #tpu.memory_space<vmem>> -> memref<1x128xf32, #tpu.memory_space<vmem>>
    %dma_start3A_1662 = tpu.memref_squeeze %dma_start3A_1661 : memref<1x128xf32, #tpu.memory_space<vmem>> -> memref<128xf32, #tpu.memory_space<vmem>>
    %dma_start3A_1663 = arith.constant 384 : i32
    %dma_start3A_1664 = tpu.memref_slice %arg7[%dma_start3A_1658, %dma_start3A_1663] : memref<1x512xi32, #tpu.memory_space<vmem>> -> memref<1x128xi32, #tpu.memory_space<vmem>>
    %dma_start3A_1665 = tpu.memref_squeeze %dma_start3A_1664 : memref<1x128xi32, #tpu.memory_space<vmem>> -> memref<128xi32, #tpu.memory_space<vmem>>
    %dma_start3A_1666 = arith.constant 0 : i32
    %dma_start3A_1667 = tpu.memref_slice %arg3[%dma_start3A_1657, %dma_start3A_1666] : memref<1024x1024xf32, #tpu.memory_space<hbm>> -> memref<1x128xf32, #tpu.memory_space<hbm>>
    %dma_start3A_1668 = tpu.memref_squeeze %dma_start3A_1667 : memref<1x128xf32, #tpu.memory_space<hbm>> -> memref<128xf32, #tpu.memory_space<hbm>>
    %dma_start3A_1669 = arith.constant 0 : i32
    %dma_start3A_1670 = tpu.memref_slice %dma_start3A_1668[%dma_start3A_1669] : memref<128xf32, #tpu.memory_space<hbm>> -> memref<128xf32, #tpu.memory_space<hbm>>
    tpu.enqueue_indirect_dma source(%dma_start3A_1670 : memref<128xf32, #tpu.memory_space<hbm>>) target(%dma_start3A_1662 : memref<128xf32, #tpu.memory_space<vmem>>) offsets(%dma_start3A_1665 : memref<128xi32, #tpu.memory_space<vmem>>) semaphore(%arg10 : memref<!tpu.dma_semaphore, #tpu.memory_space<semaphore_mem>>)
    %dma_wait3A_1671 = arith.constant 0 : i32
    %dma_wait3A_1672 = arith.constant 0 : i32
    %dma_wait3A_1673 = arith.constant 0 : i32
    %dma_wait3A_1674 = arith.constant 0 : i32
    %dma_wait3A_1675 = tpu.memref_slice %arg8[%dma_wait3A_1673, %dma_wait3A_1674] : memref<1x512xf32, #tpu.memory_space<vmem>> -> memref<1x128xf32, #tpu.memory_space<vmem>>
    %dma_wait3A_1676 = tpu.memref_squeeze %dma_wait3A_1675 : memref<1x128xf32, #tpu.memory_space<vmem>> -> memref<128xf32, #tpu.memory_space<vmem>>
    %dma_wait3A_1677 = arith.constant 0 : i32
    %dma_wait3A_1678 = tpu.memref_slice %arg7[%dma_wait3A_1672, %dma_wait3A_1677] : memref<1x512xi32, #tpu.memory_space<vmem>> -> memref<1x128xi32, #tpu.memory_space<vmem>>
    %dma_wait3A_1679 = tpu.memref_squeeze %dma_wait3A_1678 : memref<1x128xi32, #tpu.memory_space<vmem>> -> memref<128xi32, #tpu.memory_space<vmem>>
    %dma_wait3A_1680 = arith.constant 0 : i32
    %dma_wait3A_1681 = tpu.memref_slice %arg3[%dma_wait3A_1671, %dma_wait3A_1680] : memref<1024x1024xf32, #tpu.memory_space<hbm>> -> memref<1x128xf32, #tpu.memory_space<hbm>>
    %dma_wait3A_1682 = tpu.memref_squeeze %dma_wait3A_1681 : memref<1x128xf32, #tpu.memory_space<hbm>> -> memref<128xf32, #tpu.memory_space<hbm>>
    %dma_wait3A_1683 = arith.constant 0 : i32
    %dma_wait3A_1684 = tpu.memref_slice %dma_wait3A_1682[%dma_wait3A_1683] : memref<128xf32, #tpu.memory_space<hbm>> -> memref<128xf32, #tpu.memory_space<hbm>>
    tpu.wait_indirect_dma semaphore(%arg10 : memref<!tpu.dma_semaphore, #tpu.memory_space<semaphore_mem>>) src(%dma_wait3A_1684 : memref<128xf32, #tpu.memory_space<hbm>>) dst(%dma_wait3A_1676 : memref<128xf32, #tpu.memory_space<vmem>>)
    %dma_wait3A_1685 = arith.constant 0 : i32
    %dma_wait3A_1686 = arith.constant 0 : i32
    %dma_wait3A_1687 = arith.constant 0 : i32
    %dma_wait3A_1688 = arith.constant 128 : i32
    %dma_wait3A_1689 = tpu.memref_slice %arg8[%dma_wait3A_1687, %dma_wait3A_1688] : memref<1x512xf32, #tpu.memory_space<vmem>> -> memref<1x128xf32, #tpu.memory_space<vmem>>
    %dma_wait3A_1690 = tpu.memref_squeeze %dma_wait3A_1689 : memref<1x128xf32, #tpu.memory_space<vmem>> -> memref<128xf32, #tpu.memory_space<vmem>>
    %dma_wait3A_1691 = arith.constant 128 : i32
    %dma_wait3A_1692 = tpu.memref_slice %arg7[%dma_wait3A_1686, %dma_wait3A_1691] : memref<1x512xi32, #tpu.memory_space<vmem>> -> memref<1x128xi32, #tpu.memory_space<vmem>>
    %dma_wait3A_1693 = tpu.memref_squeeze %dma_wait3A_1692 : memref<1x128xi32, #tpu.memory_space<vmem>> -> memref<128xi32, #tpu.memory_space<vmem>>
    %dma_wait3A_1694 = arith.constant 0 : i32
    %dma_wait3A_1695 = tpu.memref_slice %arg3[%dma_wait3A_1685, %dma_wait3A_1694] : memref<1024x1024xf32, #tpu.memory_space<hbm>> -> memref<1x128xf32, #tpu.memory_space<hbm>>
    %dma_wait3A_1696 = tpu.memref_squeeze %dma_wait3A_1695 : memref<1x128xf32, #tpu.memory_space<hbm>> -> memref<128xf32, #tpu.memory_space<hbm>>
    %dma_wait3A_1697 = arith.constant 0 : i32
    %dma_wait3A_1698 = tpu.memref_slice %dma_wait3A_1696[%dma_wait3A_1697] : memref<128xf32, #tpu.memory_space<hbm>> -> memref<128xf32, #tpu.memory_space<hbm>>
    tpu.wait_indirect_dma semaphore(%arg10 : memref<!tpu.dma_semaphore, #tpu.memory_space<semaphore_mem>>) src(%dma_wait3A_1698 : memref<128xf32, #tpu.memory_space<hbm>>) dst(%dma_wait3A_1690 : memref<128xf32, #tpu.memory_space<vmem>>)
    %dma_wait3A_1699 = arith.constant 0 : i32
    %dma_wait3A_1700 = arith.constant 0 : i32
    %dma_wait3A_1701 = arith.constant 0 : i32
    %dma_wait3A_1702 = arith.constant 256 : i32
    %dma_wait3A_1703 = tpu.memref_slice %arg8[%dma_wait3A_1701, %dma_wait3A_1702] : memref<1x512xf32, #tpu.memory_space<vmem>> -> memref<1x128xf32, #tpu.memory_space<vmem>>
    %dma_wait3A_1704 = tpu.memref_squeeze %dma_wait3A_1703 : memref<1x128xf32, #tpu.memory_space<vmem>> -> memref<128xf32, #tpu.memory_space<vmem>>
    %dma_wait3A_1705 = arith.constant 256 : i32
    %dma_wait3A_1706 = tpu.memref_slice %arg7[%dma_wait3A_1700, %dma_wait3A_1705] : memref<1x512xi32, #tpu.memory_space<vmem>> -> memref<1x128xi32, #tpu.memory_space<vmem>>
    %dma_wait3A_1707 = tpu.memref_squeeze %dma_wait3A_1706 : memref<1x128xi32, #tpu.memory_space<vmem>> -> memref<128xi32, #tpu.memory_space<vmem>>
    %dma_wait3A_1708 = arith.constant 0 : i32
    %dma_wait3A_1709 = tpu.memref_slice %arg3[%dma_wait3A_1699, %dma_wait3A_1708] : memref<1024x1024xf32, #tpu.memory_space<hbm>> -> memref<1x128xf32, #tpu.memory_space<hbm>>
    %dma_wait3A_1710 = tpu.memref_squeeze %dma_wait3A_1709 : memref<1x128xf32, #tpu.memory_space<hbm>> -> memref<128xf32, #tpu.memory_space<hbm>>
    %dma_wait3A_1711 = arith.constant 0 : i32
    %dma_wait3A_1712 = tpu.memref_slice %dma_wait3A_1710[%dma_wait3A_1711] : memref<128xf32, #tpu.memory_space<hbm>> -> memref<128xf32, #tpu.memory_space<hbm>>
    tpu.wait_indirect_dma semaphore(%arg10 : memref<!tpu.dma_semaphore, #tpu.memory_space<semaphore_mem>>) src(%dma_wait3A_1712 : memref<128xf32, #tpu.memory_space<hbm>>) dst(%dma_wait3A_1704 : memref<128xf32, #tpu.memory_space<vmem>>)
    %dma_wait3A_1713 = arith.constant 0 : i32
    %dma_wait3A_1714 = arith.constant 0 : i32
    %dma_wait3A_1715 = arith.constant 0 : i32
    %dma_wait3A_1716 = arith.constant 384 : i32
    %dma_wait3A_1717 = tpu.memref_slice %arg8[%dma_wait3A_1715, %dma_wait3A_1716] : memref<1x512xf32, #tpu.memory_space<vmem>> -> memref<1x128xf32, #tpu.memory_space<vmem>>
    %dma_wait3A_1718 = tpu.memref_squeeze %dma_wait3A_1717 : memref<1x128xf32, #tpu.memory_space<vmem>> -> memref<128xf32, #tpu.memory_space<vmem>>
    %dma_wait3A_1719 = arith.constant 384 : i32
    %dma_wait3A_1720 = tpu.memref_slice %arg7[%dma_wait3A_1714, %dma_wait3A_1719] : memref<1x512xi32, #tpu.memory_space<vmem>> -> memref<1x128xi32, #tpu.memory_space<vmem>>
    %dma_wait3A_1721 = tpu.memref_squeeze %dma_wait3A_1720 : memref<1x128xi32, #tpu.memory_space<vmem>> -> memref<128xi32, #tpu.memory_space<vmem>>
    %dma_wait3A_1722 = arith.constant 0 : i32
    %dma_wait3A_1723 = tpu.memref_slice %arg3[%dma_wait3A_1713, %dma_wait3A_1722] : memref<1024x1024xf32, #tpu.memory_space<hbm>> -> memref<1x128xf32, #tpu.memory_space<hbm>>
    %dma_wait3A_1724 = tpu.memref_squeeze %dma_wait3A_1723 : memref<1x128xf32, #tpu.memory_space<hbm>> -> memref<128xf32, #tpu.memory_space<hbm>>
    %dma_wait3A_1725 = arith.constant 0 : i32
    %dma_wait3A_1726 = tpu.memref_slice %dma_wait3A_1724[%dma_wait3A_1725] : memref<128xf32, #tpu.memory_space<hbm>> -> memref<128xf32, #tpu.memory_space<hbm>>
    tpu.wait_indirect_dma semaphore(%arg10 : memref<!tpu.dma_semaphore, #tpu.memory_space<semaphore_mem>>) src(%dma_wait3A_1726 : memref<128xf32, #tpu.memory_space<hbm>>) dst(%dma_wait3A_1718 : memref<128xf32, #tpu.memory_space<vmem>>)
    %run_scoped3A = arith.constant 0 : i32
    "tpu.region"() ({
      %run_scoped3A_1727 = tpu.sem_alloc : memref<!tpu.dma_semaphore, #tpu.memory_space<semaphore_mem>>
      %dma_start3A_1728 = arith.constant 0 : i32
      %dma_start3A_1729 = tpu.memref_slice %arg8[%run_scoped3A, %dma_start3A_1728] : memref<1x512xf32, #tpu.memory_space<vmem>> -> memref<1x512xf32, #tpu.memory_space<vmem>>
      %dma_start3A_1730 = tpu.memref_squeeze %dma_start3A_1729 : memref<1x512xf32, #tpu.memory_space<vmem>> -> memref<512xf32, #tpu.memory_space<vmem>>
      %dma_start3A_1731 = tpu.memref_slice %arg4[%mul3A_2] : memref<16384xf32, #tpu.memory_space<hbm>> -> memref<512xf32, #tpu.memory_space<hbm>>
      %dma_start3A_1732 = tpu.memref_slice %arg4[%mul3A_2] : memref<16384xf32, #tpu.memory_space<hbm>> -> memref<512xf32, #tpu.memory_space<hbm>>
      %dma_start3A_1733 = arith.constant 0 : i32
      %dma_start3A_1734 = tpu.memref_slice %arg8[%run_scoped3A, %dma_start3A_1733] : memref<1x512xf32, #tpu.memory_space<vmem>> -> memref<1x512xf32, #tpu.memory_space<vmem>>
      %dma_start3A_1735 = tpu.memref_squeeze %dma_start3A_1734 : memref<1x512xf32, #tpu.memory_space<vmem>> -> memref<512xf32, #tpu.memory_space<vmem>>
      tpu.enqueue_dma source(%dma_start3A_1735 : memref<512xf32, #tpu.memory_space<vmem>>) target(%dma_start3A_1732 : memref<512xf32, #tpu.memory_space<hbm>>) target_semaphore(%run_scoped3A_1727 : memref<!tpu.dma_semaphore, #tpu.memory_space<semaphore_mem>>)
      %dma_wait3A_1736 = arith.constant 0 : i32
      %dma_wait3A_1737 = tpu.memref_slice %arg8[%run_scoped3A, %dma_wait3A_1736] : memref<1x512xf32, #tpu.memory_space<vmem>> -> memref<1x512xf32, #tpu.memory_space<vmem>>
      %dma_wait3A_1738 = tpu.memref_squeeze %dma_wait3A_1737 : memref<1x512xf32, #tpu.memory_space<vmem>> -> memref<512xf32, #tpu.memory_space<vmem>>
      %dma_wait3A_1739 = tpu.memref_slice %arg4[%mul3A_2] : memref<16384xf32, #tpu.memory_space<hbm>> -> memref<512xf32, #tpu.memory_space<hbm>>
      %dma_wait3A_1740 = tpu.memref_slice %arg4[%mul3A_2] : memref<16384xf32, #tpu.memory_space<hbm>> -> memref<512xf32, #tpu.memory_space<hbm>>
      %dma_wait3A_1741 = arith.constant 0 : i32
      %dma_wait3A_1742 = tpu.memref_slice %arg8[%run_scoped3A, %dma_wait3A_1741] : memref<1x512xf32, #tpu.memory_space<vmem>> -> memref<1x512xf32, #tpu.memory_space<vmem>>
      %dma_wait3A_1743 = tpu.memref_squeeze %dma_wait3A_1742 : memref<1x512xf32, #tpu.memory_space<vmem>> -> memref<512xf32, #tpu.memory_space<vmem>>
      tpu.wait_dma2 semaphore(%run_scoped3A_1727 : memref<!tpu.dma_semaphore, #tpu.memory_space<semaphore_mem>>) src(%dma_wait3A_1743 : memref<512xf32, #tpu.memory_space<vmem>>) dst(%dma_wait3A_1740 : memref<512xf32, #tpu.memory_space<hbm>>)
      tpu.yield
    }) : () -> ()
    return
  }
}

</mosaic_0001>

<sc_bundles>
// kernel: kernel.3.cloned.1.call-start
scs
__scs_entry_jumppad:
0x0: {  	(pc) =	sbr.rel $0x88, $3  }
0x1: {  	(tag) =	ssettag $0x0;
	lr =	simm.s32 $0x1  }
0x2: {  	[smem:$0x3F9F] =	sst lr;
	_ =	strace $0xD0000000  }
0x3: {  	_ = 	snop  }
0x4: {  	_ = 	snop  }
0x5: {  	_ = 	snop  }
0x6: {  	_ = 	snop  }
0x7: {  	_ = 	snop  }
__scs_overlays_trampoline_lowered:
0x8: {  	[smem:$0x3FAE] =	sst s0  }
0x9: {  	[smem:$0x3FAF] =	sst s1  }
0xa: {  	[smem:$0x3FB0] =	sst s2  }
0xb: {  	[smem:$0x3FB1] =	sst s3  }
0xc: {  	[smem:$0x3FB2] =	sst s4  }
0xd: {  	[smem:$0x3FB3] =	sst s5  }
0xe: {  	[smem:$0x3FB4] =	sst s6  }
0xf: {  	[smem:$0x3FB5] =	sst s7  }
0x10: {  	[smem:$0x3FB6] =	sst s8  }
0x11: {  	[smem:$0x3FB7] =	sst s9;
	s0 =	simm.s32 @!p0 $0x0  }
0x12: {  	s1 =	sld [smem:$0x3F9D];
	s0 =	simm.s32 @p0 $0x1  }
0x13: {  	[smem:$0x3FB8] =	sst s0;
	s0 =	simm.s32 @!p1 $0x0  }
0x14: {  	s2 =	sld [smem:$0x3F9C];
	s0 =	simm.s32 @p1 $0x1  }
0x15: {  	[smem:$0x3FB9] =	sst s0;
	s0 =	simm.s32 @!p2 $0x0  }
0x16: {  	s3 =	sld [smem:$0x3FDB];
	s0 =	simm.s32 @p2 $0x1  }
0x17: {  	s4 =	simm.s32 $0x1BF5;
	[smem:$0x3FBB] =	sst s0  }
0x18: {  	s0 =	sld [smem:$0x3F9E];
	_ =	swait.ge [sflag:s4], $0x0  }
0x19: {  	s7 =	sld [smem:$0x3F9F]  }
0x1a: {  	s8 =	sadd.s32 $0xFFFFE003, lr  }
0x1b: {  	s9 =	sadd.s32 $0xFFFFFEF7, lr;
	s5 =	simm.s32 $0xFFFFFFFF;
	p2 =	slt.u32 s8, $0xFFFFF086  }
0x1c: {  	p1 =	slt.u32 s9, $0xF7A;
	s5 =	simm.s32 @!p2 $0x0  }
0x1d: {  	s5 =	simm.s32 @p1 $0x1;
	p0 =	seq.s32 s7, s2  }
0x1e: {  	s7 =	smul.u32 @!p0 $0xF7A, s2;
	p2 =	seq.s32 @!p0 s5, $0x0  }
0x1f: {  	s9 =	smul.u32 $0xF7A, s1;
	s8 =	simm.s32 @!p0 $0x1BF5;
	p2 =	por !p2, p0  }
0x20: {  	[sflag:s8] =	ssyncset.s32 @!p0 $0xFFFFF086;
	s6 =	sadd.s32 @!p0 s3, s7;
	s7 =	simm.s32 @!p0 $0x108  }
0x21: {  	s3 =	sadd.s32 s3, s9;
	s6 =	sadd.s32 @!p0 $0x88, s6;
	s7 =	simm.s32 @p2 $0x1082  }
0x22: {  	[simem:s7], [sflag:s8] =	dma.local @!p0 [hbm:s6], $0xF7A  }
0x23: {  	s9 =	sor.u32 $0xD0000000, s2;
	s6 =	simm.s32 $0x108;
	_ =	swait.ge @!p0 [sflag:s8], $0x0  }
0x24: {  	s3 =	sadd.s32 $0x88, s3;
	s6 =	simm.s32 @!p1 $0x1082;
	[sflag:s4] =	ssyncset.s32 $0xFFFFF086  }
0x25: {  	[simem:s6], [sflag:s4] =	dma.local [hbm:s3], $0xF7A  }
0x26: {  	[smem:$0x3F9F] =	sst s1;
	(tag) =	ssettag s2;
	_ =	strace s9  }
0x27: {  	s1 =	sld [smem:$0x3FAF]  }
0x28: {  	s2 =	sld [smem:$0x3FB0]  }
0x29: {  	s4 =	sld [smem:$0x3FB2]  }
0x2a: {  	p0 =	seq.s32 s5, $0x0;
	s5 =	sld [smem:$0x3FB3]  }
0x2b: {  	s6 =	sld [smem:$0x3FB4]  }
0x2c: {  	s7 =	sld [smem:$0x3FB5]  }
0x2d: {  	s3 =	simm.s32 $0x108;
	s8 =	sld [smem:$0x3FB6]  }
0x2e: {  	s3 =	simm.s32 @!p0 $0x1082;
	s9 =	sld [smem:$0x3FB7]  }
0x2f: {  	lr =	sadd.s32 s0, s3;
	s0 =	sld [smem:$0x3FAE]  }
0x30: {  	s3 =	sld [smem:$0x3FB1]  }
0x31: {  	[smem:$0x3FBA] =	sst s10  }
0x32: {  	s10 =	sld [smem:$0x3FB8];
	_ =	sdelay $0x3  }
0x33: {  	p0 =	seq.s32 s10, $0x1;
	s10 =	sld [smem:$0x3FBA];
	_ =	sdelay $0x3  }
0x34: {  	[smem:$0x3FBA] =	sst s10  }
0x35: {  	s10 =	sld [smem:$0x3FB9];
	_ =	sdelay $0x3  }
0x36: {  	p1 =	seq.s32 s10, $0x1;
	s10 =	sld [smem:$0x3FBA];
	_ =	sdelay $0x3  }
0x37: {  	[smem:$0x3FBA] =	sst s10  }
0x38: {  	s10 =	sld [smem:$0x3FBB]  }
0x39: {  	_ = 	snop;
	(pc) =	sbr.ind lr, $3  }
0x3a: {  	_ = 	snop  }
0x3b: {  	_ = 	snop  }
0x3c: {  	p2 =	seq.s32 s10, $0x1;
	s10 =	sld [smem:$0x3FBA]  }
0x3d: {  	_ =	shalt  }
0x3e: {  	_ =	shalt  }
0x3f: {  	_ =	shalt  }
0x40: {  	_ =	shalt  }
0x41: {  	_ =	shalt  }
0x42: {  	_ =	shalt  }
0x43: {  	_ =	shalt  }
0x44: {  	_ =	shalt  }
0x45: {  	_ =	shalt  }
0x46: {  	_ =	shalt  }
0x47: {  	_ =	shalt  }
0x48: {  	_ =	shalt  }
0x49: {  	_ =	shalt  }
0x4a: {  	_ =	shalt  }
0x4b: {  	_ =	shalt  }
0x4c: {  	_ =	shalt  }
0x4d: {  	_ =	shalt  }
0x4e: {  	_ =	shalt  }
0x4f: {  	_ =	shalt  }
0x50: {  	_ =	shalt  }
0x51: {  	_ =	shalt  }
0x52: {  	_ =	shalt  }
0x53: {  	_ =	shalt  }
0x54: {  	_ =	shalt  }
0x55: {  	_ =	shalt  }
0x56: {  	_ =	shalt  }
0x57: {  	_ =	shalt  }
0x58: {  	_ =	shalt  }
0x59: {  	_ =	shalt  }
0x5a: {  	_ =	shalt  }
0x5b: {  	_ =	shalt  }
0x5c: {  	_ =	shalt  }
0x5d: {  	_ =	shalt  }
0x5e: {  	_ =	shalt  }
0x5f: {  	_ =	shalt  }
0x60: {  	_ =	shalt  }
0x61: {  	_ =	shalt  }
0x62: {  	_ =	shalt  }
0x63: {  	_ =	shalt  }
0x64: {  	_ =	shalt  }
0x65: {  	_ =	shalt  }
0x66: {  	_ =	shalt  }
0x67: {  	_ =	shalt  }
0x68: {  	_ =	shalt  }
0x69: {  	_ =	shalt  }
0x6a: {  	_ =	shalt  }
0x6b: {  	_ =	shalt  }
0x6c: {  	_ =	shalt  }
0x6d: {  	_ =	shalt  }
0x6e: {  	_ =	shalt  }
0x6f: {  	_ =	shalt  }
0x70: {  	_ =	shalt  }
0x71: {  	_ =	shalt  }
0x72: {  	_ =	shalt  }
0x73: {  	_ =	shalt  }
0x74: {  	_ =	shalt  }
0x75: {  	_ =	shalt  }
0x76: {  	_ =	shalt  }
0x77: {  	_ =	shalt  }
0x78: {  	_ =	shalt  }
0x79: {  	_ =	shalt  }
0x7a: {  	_ =	shalt  }
0x7b: {  	_ =	shalt  }
0x7c: {  	_ =	shalt  }
0x7d: {  	_ =	shalt  }
0x7e: {  	_ =	shalt  }
0x7f: {  	_ =	shalt  }
0x80: {  	_ =	shalt  }
0x81: {  	_ =	shalt  }
0x82: {  	_ =	shalt  }
0x83: {  	_ =	shalt  }
0x84: {  	_ =	shalt  }
0x85: {  	_ =	shalt  }
0x86: {  	_ =	shalt  }
0x87: {  	_ =	shalt  }
.Lfunc_end0:
.L_simem_size_0:
called_computation_lowered:
.L_overlay_start_0:
0x88: {  	s2 =	sld [smem:$0x3FD9]  }
0x89: {  	s3 =	sld [smem:$0x3FFE];
	_ =	sdelay $0x1  }
0x8a: {  	s1 =	srdreg.scid  }
0x8b: {  	s0 =	sand.u32 $0x1, s1  }
0x8c: {  	s18 =	sshll.u32 s0, $0xA;
	s2 =	sadd.s32 s3, s2  }
0x8d: {  	s2 =	sadd.s32 s2, s18  }
0x8e: {  	[smem:$0x3FC6] =	sst s2  }
0x8f: {  	_ = 	snop  }
0x90: {  	s2 =	sld [smem:$0x3FC9]  }
0x91: {  	s19 =	sld [smem:$0x3FC8]  }
0x92: {  	s4 =	sld [smem:$0x3FD0];
	(tm) =	ssettm $0x1  }
0x93: {  	s5 =	sld [smem:$0x3FFB];
	_ =	sdelay $0x3  }
0x94: {  	_ =	strace s5  }
0x95: {  	s5 =	sld [smem:$0x3FFC];
	_ =	sdelay $0x3  }
0x96: {  	_ =	strace s5  }
0x97: {  	s5 =	sld [smem:$0x3FFD];
	_ =	sdelay $0x3  }
0x98: {  	_ =	strace s5  }
0x99: {  	_ =	strace $0x8FFFFFFF  }
0x9a: {  	s20 =	sld [smem:$0x3FDB];
	_ =	sdelay $0x1  }
0x9b: {  	s6 =	simm.s32 $_scs_section_size  }
0x9c: {  	s7 =	simm.s32 $_size__tile_overlayer_lowered;
	s8 =	simm.s32 $_tile_overlayer_lowered  }
0x9d: {  	s23 =	simm.s32 $0x1BFF;
	s22 =	sshll.u32 s8, $0x1;
	s5 =	sadd.s32 s6, s20  }
0x9e: {  	s9 =	simm.s32 $0x0;
	s21 =	sshll.u32 s7, $0x1;
	s7 =	sadd.s32 s22, s5  }
0x9f: {  	[timem:s9], [sflag:s23] =	dma.local [hbm:s7], s21  }
0xa0: {  	_ =	swait.ge [sflag:s23], s21  }
0xa1: {  	s6 =	ssub.s32 $0x0, s21;
	[sflag:s23] =	ssyncset.done $0x0  }
0xa2: {  	[sflag:s23] =	ssyncadd.s32 s6;
	_ =	sdelay $0x1  }
0xa3: {  	s24 =	simm.s32 $0x1B8B  }
0xa4: {  	_ =	swait.ge [sflag:s24], $0x1  }
0xa5: {  	[sflag:s24] =	ssyncset.done $0x0  }
0xa6: {  	s25 =	simm.s32 $0x1B8E;
	[sflag:s24] =	ssyncadd.s32 $0xFFFFFFFF  }
0xa7: {  	s26 =	simm.s32 $execute0_lowered;
	[smem:$0x3FD2] =	sst s25  }
0xa8: {  	s6 =	sshll.u32 s26, $0x1;
	_ =	strace $0x80000046;
	[dreg:$0x1] =	wrdreg $0xFFFFFFFF  }
0xa9: {  	s28 =	simm.s32 $_size_execute0_lowered;
	s5 =	sadd.s32 s5, s6;
	[dreg:$0x0] =	wrdreg $0x0  }
0xaa: {  	s6 =	sshll.u32 s28, $0x1;
	[dreg:$0x2] =	wrdreg s5  }
0xab: {  	[dreg:$0x3] =	wrdreg s6  }
0xac: {  	[dreg:$0x4] =	wrdreg $0xC0  }
0xad: {  	_ =	task [dreg:s9], $0x5FFFF  }
0xae: {  	[dreg:$0x1] =	wrdreg $0xFFFFFFFF  }
0xaf: {  	[dreg:$0x0] =	wrdreg $0x60  }
0xb0: {  	[dreg:$0x2] =	wrdreg s2  }
0xb1: {  	[dreg:$0x3] =	wrdreg s19  }
0xb2: {  	[dreg:$0x4] =	wrdreg s4  }
0xb3: {  	[dreg:$0x5] =	wrdreg $0x9  }
0xb4: {  	_ =	task.clear_ibuf [dreg:s9], $0x6FFFF;
	_ =	strace $0x90000046  }
0xb5: {  	s29 =	simm.s32 $0x9;
	_ =	strace $0x80000048  }
0xb6: {  	_ =	swait.ge [sflag:s29], $0x1  }
0xb7: {  	[sflag:s29] =	ssyncadd.s32 $0xFFFFFFFF  }
0xb8: {  	_ =	strace $0x90000048  }
0xb9: {  	_ =	sfence  }
0xba: {  	s30 =	sld [smem:$0x0];
	_ =	sdelay $0x2  }
0xbb: {  	s31 =	sshll.u32 s1, $0xD;
	s1 =	sshrl.u32 s1, $0x2  }
0xbc: {  	s3 =	sand.u32 $0x4000, s31;
	s1 =	sadd.s32 s1, s30  }
0xbd: {  	s0 =	sor.u32 s3, s0;
	s1 =	sshll.u32 s1, $0x11  }
0xbe: {  	s0 =	sor.u32 s1, s0  }
0xbf: {  	s0 =	sadd.s32 $0x8F2B, s0  }
0xc0: {  	[sflag:s0] =	ssyncadd.remote.s32 $0x1  }
0xc1: {  	_ =	sfence.sel $0xFFFF  }
0xc2: {  	[dreg:$0x0] =	wrdreg $0xFFFFFFFF;
	(pc) =	sbr.abs _section_cstart, $3  }
0xc3: {  	[dreg:$0x1] =	wrdreg $0xFFFFFFFF  }
0xc4: {  	_ =	task.clear_ibuf [dreg:s9], $0x2FFFF;
	_ =	strace $0x9FFFFFFF  }
0xc5: {  	(tm) =	ssettm $0x7FFFFFFF  }
tec
execute0_lowered:
.L_overlay_start_1:
0x0: {  	(tag) =	ssettag $0x1  }
0x1: {  	s4 =	rddreg [dreg:$0x0]  }
0x2: {  	s2 =	rddreg [dreg:$0x1]  }
0x3: {  	s6 =	rddreg [dreg:$0x2];
	s3 =	srdreg.scid  }
0x4: {  	s0 =	rddreg [dreg:$0x3];
	s1 =	stileid.u32  }
0x5: {  	s10 =	simm.s32 $0x200;
	s11 =	simm.s32 $0x1;
	s12 =	simm.s32 $0x400  }
0x6: {  	s13 =	simm.s32 $0x600;
	s14 =	simm.s32 $0x480;
	s15 =	simm.s32 $0x680  }
0x7: {  	s16 =	simm.s32 $0x500;
	s17 =	simm.s32 $0x700;
	s18 =	simm.s32 $0x580  }
0x8: {  	s19 =	simm.s32 $0x780;
	s20 =	simm.s32 $0x2;
	s21 =	simm.s32 $0x3  }
0x9: {  	s5 =	sand.u32 $0x1, s3;
	s3 =	simm.s32 $0x0;
	s7 =	sshll.u32 s1, $0xA  }
0xa: {  	s8 =	sshll.u32 s5, $0x9;
	[smem:$0x7FF] =	sst s3;
	s5 =	ssub.s32 $0x2, s5  }
0xb: {  	s7 =	sor.u32 s8, s7;
	_ =	strace $0x80000047;
	s9 =	sshrl.u32 s5, $0x1  }
0xc: {  	s8 =	sshrl.u32 s7, $0x2;
	s7 =	sshrl.u32 s7, $0x3;
	s31 =	ssub.s32 s5, s9  }
0xd: {  	s9 =	simm.s32 $0x100;
	s4 =	sadd.s32 s4, s8;
	s6 =	sadd.s32 s6, s7  }
0xe: {  	s7 =	smax.u32 s31, $0x1;
	s8 =	simm.s32 $0x80;
	s5 =	sadd.s32 $0x10, s4  }
.LBB2_1:
0xf: {  	[tilespmem:s3], [sflag:$0x1] =	stream.strided.gather [hbm4b:s4+s8], $0x200, s9, s8, $0x38;
	[tilespmem:$0x800] =	vst v63  }
0x10: {  	_ = 	snop  }
0x11: {  	[tilespmem:s10], [sflag:$0x1] =	stream.strided.gather [hbm4b:s5+s8], $0x200, s9, s8, $0x38;
	[tilespmem:$0x800] =	vst v63  }
0x12: {  	_ =	swait.ge [sflag:s11], $0x200  }
0x13: {  	[sflag:s11] =	ssyncset.done $0x0  }
0x14: {  	[sflag:s11] =	ssyncadd.s32 $0xFFFFFE00  }
0x15: {  	_ =	swait.ge [sflag:s11], $0x200  }
0x16: {  	[sflag:s11] =	ssyncset.done $0x0  }
0x17: {  	[sflag:s11] =	ssyncadd.s32 $0xFFFFFE00  }
0x18: {  	v0 =	vld [tilespmem:$0x0]  }
0x19: {  	v1 =	vld [tilespmem:$0x200]  }
0x1a: {  	v2 =	vld [tilespmem:$0x10]  }
0x1b: {  	v3 =	vld [tilespmem:$0x210]  }
0x1c: {  	v5 =	vld [tilespmem:$0x20]  }
0x1d: {  	v6 =	vld [tilespmem:$0x220]  }
0x1e: {  	v7 =	vld [tilespmem:$0x230]  }
0x1f: {  	v9 =	vld [tilespmem:$0x240]  }
0x20: {  	v10 =	vld [tilespmem:$0x260];
	v0 =	vadd.f32 $1.200000050e+00, v0  }
0x21: {  	v1 =	vadd.f32 $7.000000030e-02, v1;
	v2 =	vadd.f32 $1.200000050e+00, v2  }
0x22: {  	v3 =	vadd.f32 $7.000000030e-02, v3;
	v51 =	vadd.f32 $1.200000050e+00, v5  }
0x23: {  	v59 =	vld [tilespmem:$0x40];
	v53 =	vadd.f32 $7.000000030e-02, v6;
	v7 =	vadd.f32 $7.000000030e-02, v7;
	v0 =	vmul.f32 $5.688883060e+02, v0  }
0x24: {  	v9 =	vadd.f32 $7.000000030e-02, v9;
	v1 =	vmul.f32 $7.314278800e+03, v1;
	v2 =	vmul.f32 $5.688883060e+02, v2  }
0x25: {  	v10 =	vadd.f32 $7.000000030e-02, v10;
	v3 =	vmul.f32 $7.314278800e+03, v3;
	v5 =	vmul.f32 $7.314278800e+03, v53  }
0x26: {  	v7 =	vmul.f32 $7.314278800e+03, v7;
	v9 =	vmul.f32 $7.314278800e+03, v9  }
0x27: {  	v10 =	vmul.f32 $7.314278800e+03, v10;
	v0 =	vtrunc.f32 v0  }
0x28: {  	v54 =	vld [tilespmem:$0x30];
	v1 =	vtrunc.f32 v1;
	v2 =	vtrunc.f32 v2  }
0x29: {  	v14 =	vadd.f32 $1.200000050e+00, v59;
	v50 =	vtrunc.f32 v3;
	v3 =	vmul.f32 $5.688883060e+02, v51  }
0x2a: {  	v5 =	vtrunc.f32 v5;
	v62 =	vtrunc.f32 v7  }
0x2b: {  	v7 =	vmul.f32 $5.688883060e+02, v14;
	v18 =	vtrunc.f32 v9  }
0x2c: {  	v20 =	vld [tilespmem:$0x60];
	v27 =	vtrunc.f32 v10;
	v0 =	vcvt.f32.s32 v0  }
0x2d: {  	v57 =	vadd.f32 $1.200000050e+00, v54;
	v1 =	vcvt.f32.s32 v1;
	v49 =	vcvt.f32.s32 v2  }
0x2e: {  	v2 =	vcvt.f32.s32 v50;
	v56 =	vcvt.f32.s32 v5  }
0x2f: {  	v5 =	vmul.f32 $5.688883060e+02, v57;
	v63 =	vcvt.f32.s32 v62  }
0x30: {  	v19 =	vcvt.f32.s32 v18;
	v3 =	vtrunc.f32 v3  }
0x31: {  	v12 =	vld [tilespmem:$0x50];
	v17 =	vtrunc.f32 v7;
	v7 =	vadd.f32 $1.200000050e+00, v20;
	v4 =	vshll.u32 v0, $0xA  }
0x32: {  	v15 =	vld [tilespmem:$0x250];
	v0 =	vshll.u32 v0, $0x7;
	v48 =	vshll.u32 v1, $0x3;
	v1 =	vand.u32 $0x7F, v1  }
0x33: {  	v52 =	vshll.u32 v49, $0xA;
	v8 =	vshll.u32 v2, $0x3;
	v2 =	vand.u32 $0x7F, v2  }
0x34: {  	v3 =	vcvt.f32.s32 v3;
	v60 =	vshll.u32 v56, $0x3;
	v5 =	vtrunc.f32 v5  }
0x35: {  	v16 =	vshll.u32 v63, $0x3;
	v22 =	vshll.u32 v19, $0x3;
	v4 =	vand.u32 $0xFFFFE000, v4  }
0x36: {  	v0 =	vand.u32 $0x380, v0;
	v55 =	vand.u32 $0xFFFFFC00, v8;
	v61 =	vcvt.f32.s32 v5  }
0x37: {  	v5 =	vadd.f32 $1.200000050e+00, v12;
	v8 =	vadd.f32 $7.000000030e-02, v15;
	v7 =	vmul.f32 $5.688883060e+02, v7  }
0x38: {  	v0 =	vor.u32 v0, v4;
	v4 =	vand.u32 $0xFFFFFC00, v48;
	v58 =	vshll.u32 v3, $0xA  }
0x39: {  	v3 =	vshll.u32 v3, $0x7;
	v0 =	vor.u32 v1, v0;
	v1 =	vshll.u32 v49, $0x7  }
0x3a: {  	v6 =	vand.u32 $0xFFFFE000, v58;
	v3 =	vand.u32 $0x380, v3;
	v5 =	vmul.f32 $5.688883060e+02, v5  }
0x3b: {  	v12 =	vld [tilespmem:$0x70];
	v13 =	vshll.u32 v61, $0xA;
	v8 =	vmul.f32 $7.314278800e+03, v8;
	v7 =	vtrunc.f32 v7  }
0x3c: {  	v0 =	vadd.s32 v4, v0;
	v4 =	vand.u32 $0xFFFFE000, v52;
	v1 =	vand.u32 $0x380, v1  }
0x3d: {  	v3 =	vor.u32 v3, v6;
	v6 =	vand.u32 $0xFFFFFC00, v60;
	v7 =	vcvt.f32.s32 v7  }
0x3e: {  	v1 =	vor.u32 v1, v4;
	v4 =	vand.u32 $0x7F, v63;
	v5 =	vtrunc.f32 v5  }
0x3f: {  	v8 =	vtrunc.f32 v8;
	v1 =	vor.u32 v2, v1;
	v2 =	vand.u32 $0x7F, v56  }
0x40: {  	v5 =	vcvt.f32.s32 v5;
	v8 =	vcvt.f32.s32 v8;
	v26 =	vadd.f32 $1.200000050e+00, v12  }
0x41: {  	v28 =	vshll.u32 v7, $0xA;
	v7 =	vshll.u32 v7, $0x7;
	v2 =	vor.u32 v2, v3  }
0x42: {  	v1 =	vadd.s32 v55, v1;
	v3 =	vshll.u32 v61, $0x7;
	v7 =	vand.u32 $0x380, v7  }
0x43: {  	v2 =	vadd.s32 v6, v2;
	v6 =	vand.u32 $0xFFFFE000, v13;
	v3 =	vand.u32 $0x380, v3  }
0x44: {  	v11 =	vshll.u32 v5, $0xA;
	v5 =	vshll.u32 v5, $0x7;
	v24 =	vshll.u32 v8, $0x3  }
0x45: {  	v8 =	vand.u32 $0x7F, v8;
	v3 =	vor.u32 v3, v6;
	v6 =	vand.u32 $0xFFFFFC00, v16  }
0x46: {  	v13 =	vld [tilespmem:$0x270];
	v23 =	vand.u32 $0xFFFFE000, v11;
	v5 =	vand.u32 $0x380, v5;
	v25 =	vand.u32 $0xFFFFFC00, v24  }
0x47: {  	v3 =	vor.u32 v4, v3;
	v4 =	vcvt.f32.s32 v17;
	v5 =	vor.u32 v5, v23  }
0x48: {  	v3 =	vadd.s32 v6, v3;
	v6 =	vand.u32 $0x7F, v19;
	v5 =	vor.u32 v8, v5  }
0x49: {  	v8 =	vmul.f32 $5.688883060e+02, v26;
	v21 =	vshll.u32 v4, $0xA;
	v4 =	vshll.u32 v4, $0x7  }
0x4a: {  	v5 =	vadd.s32 v25, v5;
	v9 =	vand.u32 $0xFFFFE000, v21;
	v4 =	vand.u32 $0x380, v4  }
0x4b: {  	v29 =	vadd.f32 $7.000000030e-02, v13;
	v8 =	vtrunc.f32 v8;
	v4 =	vor.u32 v4, v9  }
0x4c: {  	v9 =	vand.u32 $0xFFFFFC00, v22;
	v8 =	vcvt.f32.s32 v8;
	v4 =	vor.u32 v6, v4  }
0x4d: {  	v6 =	vcvt.f32.s32 v27;
	v10 =	vmul.f32 $7.314278800e+03, v29;
	v4 =	vadd.s32 v9, v4  }
0x4e: {  	[tilespmem:$0x400] =	vst v0;
	v9 =	vand.u32 $0xFFFFE000, v28;
	v35 =	vshll.u32 v8, $0xA;
	v8 =	vshll.u32 v8, $0x7  }
0x4f: {  	[tilespmem:$0x410] =	vst v1;
	v30 =	vor.u32 v7, v9;
	v31 =	vshll.u32 v6, $0x3;
	v33 =	vtrunc.f32 v10  }
0x50: {  	[tilespmem:$0x420] =	vst v2;
	v6 =	vand.u32 $0x7F, v6;
	v36 =	vand.u32 $0xFFFFE000, v35;
	v34 =	vcvt.f32.s32 v33  }
0x51: {  	[tilespmem:$0x430] =	vst v3;
	v37 =	vand.u32 $0x380, v8;
	v32 =	vand.u32 $0xFFFFFC00, v31;
	v0 =	vor.u32 v6, v30  }
0x52: {  	[tilespmem:$0x450] =	vst v5;
	v3 =	vor.u32 v37, v36;
	v38 =	vshll.u32 v34, $0x3;
	v2 =	vand.u32 $0x7F, v34  }
0x53: {  	[tilespmem:$0x440] =	vst v4;
	v0 =	vadd.s32 v32, v0;
	v39 =	vand.u32 $0xFFFFFC00, v38;
	v2 =	vor.u32 v2, v3  }
0x54: {  	[tilespmem:$0x460] =	vst v0;
	v40 =	vadd.s32 v39, v2  }
0x55: {  	[tilespmem:$0x470] =	vst v40  }
0x56: {  	[tilespmem:s13], [sflag:$0x2] =	stream.indirect.gather [hbm4b:s2+s8], $0x1, s12, s8, $0xb8;
	[tilespmem:$0x800] =	vst v63  }
0x57: {  	v41 =	vld [tilespmem:$0x80]  }
0x58: {  	v42 =	vld [tilespmem:$0x280]  }
0x59: {  	v43 =	vld [tilespmem:$0x90]  }
0x5a: {  	v44 =	vld [tilespmem:$0x290]  }
0x5b: {  	v47 =	vld [tilespmem:$0x2A0]  }
0x5c: {  	v55 =	vld [tilespmem:$0x2B0]  }
0x5d: {  	v63 =	vld [tilespmem:$0x2C0]  }
0x5e: {  	v18 =	vld [tilespmem:$0x2D0]  }
0x5f: {  	v25 =	vld [tilespmem:$0x2E0];
	v0 =	vadd.f32 $1.200000050e+00, v41;
	v1 =	vadd.f32 $7.000000030e-02, v42  }
0x60: {  	v46 =	vld [tilespmem:$0xA0];
	v2 =	vadd.f32 $1.200000050e+00, v43;
	v3 =	vadd.f32 $7.000000030e-02, v44  }
0x61: {  	v61 =	vld [tilespmem:$0xC0];
	v53 =	vadd.f32 $7.000000030e-02, v47;
	v7 =	vadd.f32 $7.000000030e-02, v55  }
0x62: {  	v9 =	vadd.f32 $7.000000030e-02, v63;
	v0 =	vmul.f32 $5.688883060e+02, v0;
	v1 =	vmul.f32 $7.314278800e+03, v1  }
0x63: {  	v8 =	vadd.f32 $7.000000030e-02, v18;
	v2 =	vmul.f32 $5.688883060e+02, v2;
	v3 =	vmul.f32 $7.314278800e+03, v3  }
0x64: {  	v10 =	vadd.f32 $7.000000030e-02, v25;
	v5 =	vmul.f32 $7.314278800e+03, v53;
	v7 =	vmul.f32 $7.314278800e+03, v7  }
0x65: {  	v31 =	vld [tilespmem:$0x2F0];
	v9 =	vmul.f32 $7.314278800e+03, v9;
	v8 =	vmul.f32 $7.314278800e+03, v8  }
0x66: {  	v51 =	vadd.f32 $1.200000050e+00, v46;
	v10 =	vmul.f32 $7.314278800e+03, v10;
	v0 =	vtrunc.f32 v0  }
0x67: {  	v1 =	vtrunc.f32 v1;
	v2 =	vtrunc.f32 v2  }
0x68: {  	v54 =	vld [tilespmem:$0xB0];
	v17 =	vadd.f32 $1.200000050e+00, v61;
	v50 =	vtrunc.f32 v3;
	v3 =	vmul.f32 $5.688883060e+02, v51  }
0x69: {  	v5 =	vtrunc.f32 v5;
	v13 =	vtrunc.f32 v7  }
0x6a: {  	v36 =	vadd.f32 $7.000000030e-02, v31;
	v7 =	vmul.f32 $5.688883060e+02, v17;
	v21 =	vtrunc.f32 v9  }
0x6b: {  	v28 =	vld [tilespmem:$0xF0];
	v8 =	vtrunc.f32 v8;
	v34 =	vtrunc.f32 v10  }
0x6c: {  	v23 =	vld [tilespmem:$0xE0];
	v10 =	vmul.f32 $7.314278800e+03, v36;
	v0 =	vcvt.f32.s32 v0  }
0x6d: {  	v59 =	vadd.f32 $1.200000050e+00, v54;
	v1 =	vcvt.f32.s32 v1;
	v49 =	vcvt.f32.s32 v2  }
0x6e: {  	v2 =	vcvt.f32.s32 v50;
	v58 =	vcvt.f32.s32 v5  }
0x6f: {  	v5 =	vmul.f32 $5.688883060e+02, v59;
	v14 =	vcvt.f32.s32 v13  }
0x70: {  	v33 =	vadd.f32 $1.200000050e+00, v28;
	v22 =	vcvt.f32.s32 v21;
	v8 =	vcvt.f32.s32 v8  }
0x71: {  	v3 =	vtrunc.f32 v3;
	v20 =	vtrunc.f32 v7;
	v7 =	vadd.f32 $1.200000050e+00, v23  }
0x72: {  	v40 =	vtrunc.f32 v10;
	v45 =	vshll.u32 v0, $0xA;
	v0 =	vshll.u32 v0, $0x7  }
0x73: {  	v15 =	vld [tilespmem:$0xD0];
	v48 =	vshll.u32 v1, $0x3;
	v1 =	vand.u32 $0x7F, v1;
	v52 =	vshll.u32 v49, $0xA  }
0x74: {  	v56 =	vshll.u32 v2, $0x3;
	v2 =	vand.u32 $0x7F, v2;
	v3 =	vcvt.f32.s32 v3  }
0x75: {  	v62 =	vshll.u32 v58, $0x3;
	v5 =	vtrunc.f32 v5;
	v19 =	vshll.u32 v14, $0x3  }
0x76: {  	v26 =	vshll.u32 v22, $0x3;
	v30 =	vshll.u32 v8, $0x3;
	v8 =	vand.u32 $0x7F, v8  }
0x77: {  	v41 =	vcvt.f32.s32 v40;
	v4 =	vand.u32 $0xFFFFE000, v45;
	v0 =	vand.u32 $0x380, v0  }
0x78: {  	v57 =	vand.u32 $0xFFFFFC00, v56;
	v12 =	vcvt.f32.s32 v5;
	v5 =	vadd.f32 $1.200000050e+00, v15  }
0x79: {  	v7 =	vmul.f32 $5.688883060e+02, v7;
	v32 =	vand.u32 $0xFFFFFC00, v30;
	v0 =	vor.u32 v0, v4  }
0x7a: {  	v4 =	vand.u32 $0xFFFFFC00, v48;
	v60 =	vshll.u32 v3, $0xA;
	v3 =	vshll.u32 v3, $0x7  }
0x7b: {  	v45 =	vshll.u32 v41, $0x3;
	v0 =	vor.u32 v1, v0;
	v1 =	vshll.u32 v49, $0x7  }
0x7c: {  	v6 =	vand.u32 $0xFFFFE000, v60;
	v3 =	vand.u32 $0x380, v3;
	v16 =	vshll.u32 v12, $0xA  }
0x7d: {  	v5 =	vmul.f32 $5.688883060e+02, v5;
	v7 =	vtrunc.f32 v7;
	v0 =	vadd.s32 v4, v0  }
0x7e: {  	v4 =	vand.u32 $0xFFFFE000, v52;
	v1 =	vand.u32 $0x380, v1;
	v3 =	vor.u32 v3, v6  }
0x7f: {  	v6 =	vand.u32 $0xFFFFFC00, v62;
	v7 =	vcvt.f32.s32 v7;
	v1 =	vor.u32 v1, v4  }
0x80: {  	v4 =	vand.u32 $0x7F, v14;
	v5 =	vtrunc.f32 v5;
	v1 =	vor.u32 v2, v1  }
0x81: {  	v2 =	vand.u32 $0x7F, v58;
	v5 =	vcvt.f32.s32 v5;
	v35 =	vshll.u32 v7, $0xA  }
0x82: {  	v7 =	vshll.u32 v7, $0x7;
	v2 =	vor.u32 v2, v3;
	v1 =	vadd.s32 v57, v1  }
0x83: {  	v3 =	vshll.u32 v12, $0x7;
	v7 =	vand.u32 $0x380, v7;
	v2 =	vadd.s32 v6, v2  }
0x84: {  	v6 =	vand.u32 $0xFFFFE000, v16;
	v3 =	vand.u32 $0x380, v3;
	v27 =	vshll.u32 v5, $0xA  }
0x85: {  	v5 =	vshll.u32 v5, $0x7;
	v3 =	vor.u32 v3, v6;
	v6 =	vand.u32 $0xFFFFFC00, v19  }
0x86: {  	v29 =	vand.u32 $0xFFFFE000, v27;
	v5 =	vand.u32 $0x380, v5;
	[tilespmem:$0x4A0] =	vst v2;
	v2 =	vand.u32 $0x7F, v41  }
0x87: {  	v3 =	vor.u32 v4, v3;
	v4 =	vcvt.f32.s32 v20;
	v5 =	vor.u32 v5, v29  }
0x88: {  	v3 =	vadd.s32 v6, v3;
	v5 =	vor.u32 v8, v5;
	v8 =	vmul.f32 $5.688883060e+02, v33  }
0x89: {  	v6 =	vand.u32 $0x7F, v22;
	v24 =	vshll.u32 v4, $0xA;
	v4 =	vshll.u32 v4, $0x7  }
0x8a: {  	v9 =	vand.u32 $0xFFFFE000, v24;
	v4 =	vand.u32 $0x380, v4;
	v8 =	vtrunc.f32 v8  }
0x8b: {  	v5 =	vadd.s32 v32, v5;
	v4 =	vor.u32 v4, v9;
	v8 =	vcvt.f32.s32 v8  }
0x8c: {  	v9 =	vand.u32 $0xFFFFFC00, v26;
	v4 =	vor.u32 v6, v4;
	v6 =	vcvt.f32.s32 v34  }
0x8d: {  	[tilespmem:$0x480] =	vst v0;
	v4 =	vadd.s32 v9, v4;
	v9 =	vand.u32 $0xFFFFE000, v35;
	v42 =	vshll.u32 v8, $0xA  }
0x8e: {  	[tilespmem:$0x490] =	vst v1;
	v8 =	vshll.u32 v8, $0x7;
	v37 =	vor.u32 v7, v9;
	v38 =	vshll.u32 v6, $0x3  }
0x8f: {  	[tilespmem:$0x4B0] =	vst v3;
	v6 =	vand.u32 $0x7F, v6;
	v43 =	vand.u32 $0xFFFFE000, v42;
	v44 =	vand.u32 $0x380, v8  }
0x90: {  	[tilespmem:$0x4D0] =	vst v5;
	v39 =	vand.u32 $0xFFFFFC00, v38;
	v0 =	vor.u32 v6, v37;
	v3 =	vor.u32 v44, v43  }
0x91: {  	v46 =	vand.u32 $0xFFFFFC00, v45;
	[tilespmem:$0x4C0] =	vst v4;
	v0 =	vadd.s32 v39, v0;
	v2 =	vor.u32 v2, v3  }
0x92: {  	[tilespmem:$0x4E0] =	vst v0;
	v47 =	vadd.s32 v46, v2  }
0x93: {  	[tilespmem:$0x4F0] =	vst v47  }
0x94: {  	[tilespmem:s15], [sflag:$0x2] =	stream.indirect.gather [hbm4b:s2+s8], $0x1, s14, s8, $0xb8;
	[tilespmem:$0x800] =	vst v63  }
0x95: {  	v48 =	vld [tilespmem:$0x100]  }
0x96: {  	v49 =	vld [tilespmem:$0x300]  }
0x97: {  	v50 =	vld [tilespmem:$0x110]  }
0x98: {  	v51 =	vld [tilespmem:$0x310]  }
0x99: {  	v54 =	vld [tilespmem:$0x320]  }
0x9a: {  	v62 =	vld [tilespmem:$0x330]  }
0x9b: {  	v18 =	vld [tilespmem:$0x340]  }
0x9c: {  	v25 =	vld [tilespmem:$0x350]  }
0x9d: {  	v32 =	vld [tilespmem:$0x360];
	v0 =	vadd.f32 $1.200000050e+00, v48;
	v1 =	vadd.f32 $7.000000030e-02, v49  }
0x9e: {  	v53 =	vld [tilespmem:$0x120];
	v2 =	vadd.f32 $1.200000050e+00, v50;
	v3 =	vadd.f32 $7.000000030e-02, v51  }
0x9f: {  	v16 =	vld [tilespmem:$0x140];
	v60 =	vadd.f32 $7.000000030e-02, v54;
	v7 =	vadd.f32 $7.000000030e-02, v62  }
0xa0: {  	v9 =	vadd.f32 $7.000000030e-02, v18;
	v0 =	vmul.f32 $5.688883060e+02, v0;
	v1 =	vmul.f32 $7.314278800e+03, v1  }
0xa1: {  	v8 =	vadd.f32 $7.000000030e-02, v25;
	v2 =	vmul.f32 $5.688883060e+02, v2;
	v3 =	vmul.f32 $7.314278800e+03, v3  }
0xa2: {  	v10 =	vadd.f32 $7.000000030e-02, v32;
	v5 =	vmul.f32 $7.314278800e+03, v60;
	v7 =	vmul.f32 $7.314278800e+03, v7  }
0xa3: {  	v38 =	vld [tilespmem:$0x370];
	v9 =	vmul.f32 $7.314278800e+03, v9;
	v8 =	vmul.f32 $7.314278800e+03, v8  }
0xa4: {  	v58 =	vadd.f32 $1.200000050e+00, v53;
	v10 =	vmul.f32 $7.314278800e+03, v10;
	v0 =	vtrunc.f32 v0  }
0xa5: {  	v1 =	vtrunc.f32 v1;
	v2 =	vtrunc.f32 v2  }
0xa6: {  	v61 =	vld [tilespmem:$0x130];
	v24 =	vadd.f32 $1.200000050e+00, v16;
	v57 =	vtrunc.f32 v3;
	v3 =	vmul.f32 $5.688883060e+02, v58  }
0xa7: {  	v5 =	vtrunc.f32 v5;
	v20 =	vtrunc.f32 v7  }
0xa8: {  	v43 =	vadd.f32 $7.000000030e-02, v38;
	v7 =	vmul.f32 $5.688883060e+02, v24;
	v28 =	vtrunc.f32 v9  }
0xa9: {  	v35 =	vld [tilespmem:$0x170];
	v8 =	vtrunc.f32 v8;
	v41 =	vtrunc.f32 v10  }
0xaa: {  	v30 =	vld [tilespmem:$0x160];
	v10 =	vmul.f32 $7.314278800e+03, v43;
	v0 =	vcvt.f32.s32 v0  }
0xab: {  	v14 =	vadd.f32 $1.200000050e+00, v61;
	v1 =	vcvt.f32.s32 v1;
	v56 =	vcvt.f32.s32 v2  }
0xac: {  	v2 =	vcvt.f32.s32 v57;
	v13 =	vcvt.f32.s32 v5  }
0xad: {  	v5 =	vmul.f32 $5.688883060e+02, v14;
	v21 =	vcvt.f32.s32 v20  }
0xae: {  	v40 =	vadd.f32 $1.200000050e+00, v35;
	v29 =	vcvt.f32.s32 v28;
	v8 =	vcvt.f32.s32 v8  }
0xaf: {  	v3 =	vtrunc.f32 v3;
	v27 =	vtrunc.f32 v7;
	v7 =	vadd.f32 $1.200000050e+00, v30  }
0xb0: {  	v47 =	vtrunc.f32 v10;
	v52 =	vshll.u32 v0, $0xA;
	v0 =	vshll.u32 v0, $0x7  }
0xb1: {  	v22 =	vld [tilespmem:$0x150];
	v55 =	vshll.u32 v1, $0x3;
	v1 =	vand.u32 $0x7F, v1;
	v59 =	vshll.u32 v56, $0xA  }
0xb2: {  	v63 =	vshll.u32 v2, $0x3;
	v2 =	vand.u32 $0x7F, v2;
	v3 =	vcvt.f32.s32 v3  }
0xb3: {  	v17 =	vshll.u32 v13, $0x3;
	v5 =	vtrunc.f32 v5;
	v26 =	vshll.u32 v21, $0x3  }
0xb4: {  	v33 =	vshll.u32 v29, $0x3;
	v37 =	vshll.u32 v8, $0x3;
	v8 =	vand.u32 $0x7F, v8  }
0xb5: {  	v48 =	vcvt.f32.s32 v47;
	v4 =	vand.u32 $0xFFFFE000, v52;
	v0 =	vand.u32 $0x380, v0  }
0xb6: {  	v12 =	vand.u32 $0xFFFFFC00, v63;
	v19 =	vcvt.f32.s32 v5;
	v5 =	vadd.f32 $1.200000050e+00, v22  }
0xb7: {  	v7 =	vmul.f32 $5.688883060e+02, v7;
	v39 =	vand.u32 $0xFFFFFC00, v37;
	v0 =	vor.u32 v0, v4  }
0xb8: {  	v4 =	vand.u32 $0xFFFFFC00, v55;
	v15 =	vshll.u32 v3, $0xA;
	v3 =	vshll.u32 v3, $0x7  }
0xb9: {  	v52 =	vshll.u32 v48, $0x3;
	v0 =	vor.u32 v1, v0;
	v1 =	vshll.u32 v56, $0x7  }
0xba: {  	v6 =	vand.u32 $0xFFFFE000, v15;
	v3 =	vand.u32 $0x380, v3;
	v23 =	vshll.u32 v19, $0xA  }
0xbb: {  	v5 =	vmul.f32 $5.688883060e+02, v5;
	v7 =	vtrunc.f32 v7;
	v0 =	vadd.s32 v4, v0  }
0xbc: {  	v4 =	vand.u32 $0xFFFFE000, v59;
	v1 =	vand.u32 $0x380, v1;
	v3 =	vor.u32 v3, v6  }
0xbd: {  	v6 =	vand.u32 $0xFFFFFC00, v17;
	v7 =	vcvt.f32.s32 v7;
	v1 =	vor.u32 v1, v4  }
0xbe: {  	v4 =	vand.u32 $0x7F, v21;
	v5 =	vtrunc.f32 v5;
	v1 =	vor.u32 v2, v1  }
0xbf: {  	v2 =	vand.u32 $0x7F, v13;
	v5 =	vcvt.f32.s32 v5;
	v42 =	vshll.u32 v7, $0xA  }
0xc0: {  	v7 =	vshll.u32 v7, $0x7;
	v2 =	vor.u32 v2, v3;
	v1 =	vadd.s32 v12, v1  }
0xc1: {  	v3 =	vshll.u32 v19, $0x7;
	v7 =	vand.u32 $0x380, v7;
	v2 =	vadd.s32 v6, v2  }
0xc2: {  	v6 =	vand.u32 $0xFFFFE000, v23;
	v3 =	vand.u32 $0x380, v3;
	v34 =	vshll.u32 v5, $0xA  }
0xc3: {  	v5 =	vshll.u32 v5, $0x7;
	v3 =	vor.u32 v3, v6;
	v6 =	vand.u32 $0xFFFFFC00, v26  }
0xc4: {  	v36 =	vand.u32 $0xFFFFE000, v34;
	v5 =	vand.u32 $0x380, v5;
	[tilespmem:$0x520] =	vst v2;
	v2 =	vand.u32 $0x7F, v48  }
0xc5: {  	v3 =	vor.u32 v4, v3;
	v4 =	vcvt.f32.s32 v27;
	v5 =	vor.u32 v5, v36  }
0xc6: {  	v3 =	vadd.s32 v6, v3;
	v5 =	vor.u32 v8, v5;
	v8 =	vmul.f32 $5.688883060e+02, v40  }
0xc7: {  	v6 =	vand.u32 $0x7F, v29;
	v31 =	vshll.u32 v4, $0xA;
	v4 =	vshll.u32 v4, $0x7  }
0xc8: {  	v9 =	vand.u32 $0xFFFFE000, v31;
	v4 =	vand.u32 $0x380, v4;
	v8 =	vtrunc.f32 v8  }
0xc9: {  	v5 =	vadd.s32 v39, v5;
	v4 =	vor.u32 v4, v9;
	v8 =	vcvt.f32.s32 v8  }
0xca: {  	v9 =	vand.u32 $0xFFFFFC00, v33;
	v4 =	vor.u32 v6, v4;
	v6 =	vcvt.f32.s32 v41  }
0xcb: {  	[tilespmem:$0x500] =	vst v0;
	v4 =	vadd.s32 v9, v4;
	v9 =	vand.u32 $0xFFFFE000, v42;
	v49 =	vshll.u32 v8, $0xA  }
0xcc: {  	[tilespmem:$0x510] =	vst v1;
	v8 =	vshll.u32 v8, $0x7;
	v44 =	vor.u32 v7, v9;
	v45 =	vshll.u32 v6, $0x3  }
0xcd: {  	[tilespmem:$0x530] =	vst v3;
	v6 =	vand.u32 $0x7F, v6;
	v50 =	vand.u32 $0xFFFFE000, v49;
	v51 =	vand.u32 $0x380, v8  }
0xce: {  	[tilespmem:$0x550] =	vst v5;
	v46 =	vand.u32 $0xFFFFFC00, v45;
	v0 =	vor.u32 v6, v44;
	v3 =	vor.u32 v51, v50  }
0xcf: {  	v53 =	vand.u32 $0xFFFFFC00, v52;
	[tilespmem:$0x540] =	vst v4;
	v0 =	vadd.s32 v46, v0;
	v2 =	vor.u32 v2, v3  }
0xd0: {  	[tilespmem:$0x560] =	vst v0;
	v54 =	vadd.s32 v53, v2  }
0xd1: {  	[tilespmem:$0x570] =	vst v54  }
0xd2: {  	[tilespmem:s17], [sflag:$0x2] =	stream.indirect.gather [hbm4b:s2+s8], $0x1, s16, s8, $0xb8;
	[tilespmem:$0x800] =	vst v63  }
0xd3: {  	v55 =	vld [tilespmem:$0x180]  }
0xd4: {  	v56 =	vld [tilespmem:$0x380]  }
0xd5: {  	v57 =	vld [tilespmem:$0x190]  }
0xd6: {  	v58 =	vld [tilespmem:$0x390]  }
0xd7: {  	v59 =	vld [tilespmem:$0x1A0]  }
0xd8: {  	v14 =	vld [tilespmem:$0x3B0]  }
0xd9: {  	v35 =	vld [tilespmem:$0x1E0]  }
0xda: {  	v36 =	vld [tilespmem:$0x3E0]  }
0xdb: {  	v38 =	vld [tilespmem:$0x1F0];
	v0 =	vadd.f32 $1.200000050e+00, v55  }
0xdc: {  	v41 =	vld [tilespmem:$0x3F0];
	v1 =	vadd.f32 $7.000000030e-02, v56;
	v2 =	vadd.f32 $1.200000050e+00, v57  }
0xdd: {  	v3 =	vadd.f32 $7.000000030e-02, v58;
	v4 =	vadd.f32 $1.200000050e+00, v59  }
0xde: {  	v23 =	vld [tilespmem:$0x3C0];
	v8 =	vadd.f32 $7.000000030e-02, v14;
	v9 =	vadd.f32 $1.200000050e+00, v35  }
0xdf: {  	v10 =	vadd.f32 $7.000000030e-02, v36;
	v0 =	vmul.f32 $5.688883060e+02, v0;
	v1 =	vmul.f32 $7.314278800e+03, v1  }
0xe0: {  	v45 =	vadd.f32 $1.200000050e+00, v38;
	v2 =	vmul.f32 $5.688883060e+02, v2;
	v3 =	vmul.f32 $7.314278800e+03, v3  }
0xe1: {  	v49 =	vadd.f32 $7.000000030e-02, v41;
	v4 =	vmul.f32 $5.688883060e+02, v4;
	v22 =	vmul.f32 $7.314278800e+03, v8  }
0xe2: {  	v9 =	vmul.f32 $5.688883060e+02, v9;
	v44 =	vmul.f32 $7.314278800e+03, v10  }
0xe3: {  	v48 =	vmul.f32 $5.688883060e+02, v45;
	v10 =	vmul.f32 $7.314278800e+03, v49  }
0xe4: {  	v0 =	vtrunc.f32 v0;
	v1 =	vtrunc.f32 v1  }
0xe5: {  	v12 =	vld [tilespmem:$0x1B0];
	v8 =	vadd.f32 $7.000000030e-02, v23;
	v2 =	vtrunc.f32 v2;
	v3 =	vtrunc.f32 v3  }
0xe6: {  	v18 =	vld [tilespmem:$0x1C0];
	v4 =	vtrunc.f32 v4;
	v26 =	vtrunc.f32 v22  }
0xe7: {  	v29 =	vld [tilespmem:$0x3D0];
	v8 =	vmul.f32 $7.314278800e+03, v8;
	v43 =	vtrunc.f32 v9  }
0xe8: {  	v46 =	vtrunc.f32 v44;
	v9 =	vtrunc.f32 v48  }
0xe9: {  	v54 =	vtrunc.f32 v10;
	v0 =	vcvt.f32.s32 v0  }
0xea: {  	v17 =	vadd.f32 $1.200000050e+00, v12;
	v1 =	vcvt.f32.s32 v1;
	v2 =	vcvt.f32.s32 v2  }
0xeb: {  	v27 =	vadd.f32 $1.200000050e+00, v18;
	v63 =	vcvt.f32.s32 v3;
	v4 =	vcvt.f32.s32 v4  }
0xec: {  	v32 =	vadd.f32 $7.000000030e-02, v29;
	v52 =	vcvt.f32.s32 v9;
	v55 =	vcvt.f32.s32 v54  }
0xed: {  	v33 =	vtrunc.f32 v8;
	v60 =	vshll.u32 v0, $0xA;
	v0 =	vshll.u32 v0, $0x7  }
0xee: {  	v61 =	vld [tilespmem:$0x3A0];
	v62 =	vshll.u32 v1, $0x3;
	v1 =	vand.u32 $0x7F, v1;
	v11 =	vshll.u32 v2, $0xA  }
0xef: {  	v2 =	vshll.u32 v2, $0x7;
	v13 =	vshll.u32 v63, $0x3;
	v16 =	vshll.u32 v4, $0xA  }
0xf0: {  	v4 =	vshll.u32 v4, $0x7;
	v56 =	vshll.u32 v52, $0xA;
	v57 =	vshll.u32 v52, $0x7  }
0xf1: {  	v5 =	vand.u32 $0xFFFFE000, v60;
	v0 =	vand.u32 $0x380, v0;
	v6 =	vand.u32 $0xFFFFFC00, v62  }
0xf2: {  	v3 =	vand.u32 $0xFFFFE000, v11;
	v2 =	vand.u32 $0x380, v2;
	v4 =	vand.u32 $0x380, v4  }
0xf3: {  	v58 =	vand.u32 $0xFFFFE000, v56;
	v0 =	vor.u32 v0, v5;
	v5 =	vadd.f32 $7.000000030e-02, v61  }
0xf4: {  	v59 =	vand.u32 $0x380, v57;
	v60 =	vshll.u32 v55, $0x3;
	v2 =	vor.u32 v2, v3  }
0xf5: {  	v25 =	vld [tilespmem:$0x1D0];
	v3 =	vand.u32 $0xFFFFFC00, v13;
	v0 =	vor.u32 v1, v0;
	v5 =	vmul.f32 $7.314278800e+03, v5  }
0xf6: {  	v1 =	vand.u32 $0x7F, v63;
	v0 =	vadd.s32 v6, v0;
	v6 =	vmul.f32 $5.688883060e+02, v17  }
0xf7: {  	v62 =	vand.u32 $0xFFFFFC00, v60;
	v1 =	vor.u32 v1, v2;
	v15 =	vtrunc.f32 v5  }
0xf8: {  	v1 =	vadd.s32 v3, v1;
	v21 =	vtrunc.f32 v6;
	v6 =	vmul.f32 $5.688883060e+02, v27  }
0xf9: {  	v5 =	vand.u32 $0xFFFFE000, v16;
	v2 =	vcvt.f32.s32 v15;
	v24 =	vcvt.f32.s32 v21  }
0xfa: {  	v19 =	vor.u32 v4, v5;
	v5 =	vadd.f32 $1.200000050e+00, v25;
	v6 =	vtrunc.f32 v6  }
0xfb: {  	v20 =	vshll.u32 v2, $0x3;
	v2 =	vand.u32 $0x7F, v2;
	v28 =	vshll.u32 v24, $0xA  }
0xfc: {  	v3 =	vshll.u32 v24, $0x7;
	v6 =	vcvt.f32.s32 v6;
	v31 =	vmul.f32 $5.688883060e+02, v5  }
0xfd: {  	v5 =	vmul.f32 $7.314278800e+03, v32;
	v4 =	vand.u32 $0xFFFFFC00, v20;
	v2 =	vor.u32 v2, v19  }
0xfe: {  	v7 =	vand.u32 $0xFFFFE000, v28;
	v3 =	vand.u32 $0x380, v3;
	v2 =	vadd.s32 v4, v2  }
0xff: {  	v4 =	vcvt.f32.s32 v26;
	v3 =	vor.u32 v3, v7;
	v34 =	vshll.u32 v6, $0xA  }
0x100: {  	v6 =	vshll.u32 v6, $0x7;
	v5 =	vtrunc.f32 v5;
	v8 =	vand.u32 $0xFFFFE000, v34  }
0x101: {  	v6 =	vand.u32 $0x380, v6;
	v5 =	vcvt.f32.s32 v5;
	[tilespmem:$0x5A0] =	vst v2;
	v2 =	vand.u32 $0x7F, v55  }
0x102: {  	v30 =	vshll.u32 v4, $0x3;
	v4 =	vand.u32 $0x7F, v4;
	v6 =	vor.u32 v6, v8  }
0x103: {  	v7 =	vand.u32 $0xFFFFFC00, v30;
	v3 =	vor.u32 v4, v3;
	v4 =	vtrunc.f32 v31  }
0x104: {  	v40 =	vand.u32 $0x7F, v5;
	v5 =	vshll.u32 v5, $0x3;
	v4 =	vcvt.f32.s32 v4  }
0x105: {  	v3 =	vadd.s32 v7, v3;
	v7 =	vcvt.f32.s32 v33;
	v5 =	vand.u32 $0xFFFFFC00, v5  }
0x106: {  	[tilespmem:$0x5B0] =	vst v3;
	v3 =	vor.u32 v59, v58;
	v37 =	vshll.u32 v4, $0xA;
	v4 =	vshll.u32 v4, $0x7  }
0x107: {  	v39 =	vshll.u32 v7, $0x3;
	v8 =	vand.u32 $0xFFFFE000, v37;
	v4 =	vand.u32 $0x380, v4  }
0x108: {  	v7 =	vand.u32 $0x7F, v7;
	v61 =	vor.u32 v2, v3;
	v4 =	vor.u32 v4, v8  }
0x109: {  	v6 =	vor.u32 v7, v6;
	v8 =	vcvt.f32.s32 v43;
	v4 =	vor.u32 v40, v4  }
0x10a: {  	v42 =	vand.u32 $0xFFFFFC00, v39;
	v63 =	vadd.s32 v62, v61;
	v4 =	vadd.s32 v5, v4  }
0x10b: {  	[tilespmem:$0x580] =	vst v0;
	v47 =	vshll.u32 v8, $0xA;
	v5 =	vcvt.f32.s32 v46;
	v8 =	vshll.u32 v8, $0x7  }
0x10c: {  	[tilespmem:$0x590] =	vst v1;
	v6 =	vadd.s32 v42, v6;
	v7 =	vand.u32 $0xFFFFE000, v47;
	v8 =	vand.u32 $0x380, v8  }
0x10d: {  	[tilespmem:$0x5F0] =	vst v63;
	v50 =	vor.u32 v8, v7;
	v51 =	vand.u32 $0x7F, v5;
	v53 =	vshll.u32 v5, $0x3  }
0x10e: {  	[tilespmem:$0x5C0] =	vst v6;
	v0 =	vor.u32 v51, v50;
	v1 =	vand.u32 $0xFFFFFC00, v53  }
0x10f: {  	[tilespmem:$0x5D0] =	vst v4;
	v0 =	vadd.s32 v1, v0  }
0x110: {  	[tilespmem:$0x5E0] =	vst v0  }
0x111: {  	[tilespmem:s19], [sflag:$0x2] =	stream.indirect.gather [hbm4b:s2+s8], $0x1, s18, s8, $0xb8;
	[tilespmem:$0x800] =	vst v63  }
0x112: {  	_ =	swait.ge [sflag:s20], $0x80  }
0x113: {  	[sflag:s20] =	ssyncset.done $0x0  }
0x114: {  	[sflag:s20] =	ssyncadd.s32 $0xFFFFFF80  }
0x115: {  	_ =	swait.ge [sflag:s20], $0x80  }
0x116: {  	[sflag:s20] =	ssyncset.done $0x0  }
0x117: {  	[sflag:s20] =	ssyncadd.s32 $0xFFFFFF80  }
0x118: {  	_ =	swait.ge [sflag:s20], $0x80  }
0x119: {  	[sflag:s20] =	ssyncset.done $0x0  }
0x11a: {  	[sflag:s20] =	ssyncadd.s32 $0xFFFFFF80  }
0x11b: {  	_ =	swait.ge [sflag:s20], $0x80  }
0x11c: {  	p0 =	sne.s32 s7, $0x1;
	[sflag:s20] =	ssyncset.done $0x0  }
.Ltmp0:
0x11d: {  	[sflag:s20] =	ssyncadd.s32 $0xFFFFFF80;
	(pc) =	sbr.rel @p0 .LBB2_1-.Ltmp0, $4  }
0x11e: {  	[hbm4b:s6+s3] =	stream.linear.scatter [tilespmem:s13], [sflag:$0x3], $0x200, $0x38;
	[tilespmem:$0x800] =	vst v63  }
0x11f: {  	_ =	swait.ge [sflag:s21], $0x200  }
0x120: {  	[sflag:s21] =	ssyncset.done $0x0  }
0x121: {  	s7 =	sadd.s32 $0xFFFFFFFF, s7;
	[sflag:s21] =	ssyncadd.s32 $0xFFFFFE00  }
0x122: {  	_ =	sfence.sel $0x180000  }
0x123: {  	[bflag:$0x0] =	sbarrier.arrive $0xFFFF  }
0x124: {  	p0 =	sne.s32 s1, $0x0;
	_ =	strace $0x90000047  }
0x125: {  	s0 =	sadd.s32 @!p0 $0x100000, s0;
	[bflag:$0x2] =	sbarrier.arrive $0xFFFF  }
0x126: {  	[sflag:s0] =	ssyncadd.tile.s32 @!p0 $0x1;
	_ =	shalt  }
.Lfunc_end2:
_tile_overlayer_lowered:
.L_overlay_start_2:
0x127: {  	(tag) =	ssettag $0x2  }
0x128: {  	s0 =	rddreg [dreg:$0x0];
	s2 =	stileid.u32  }
0x129: {  	s1 =	rddreg [dreg:$0x1];
	p0 =	sne.s32 s2, $0x0  }
0x12a: {  	s3 =	rddreg [dreg:$0x2];
	[bflag:$0x3] =	sbarrier.arrive $0xFFFF;
	s2 =	simm.s32 @!p0 $0x1C03  }
0x12b: {  	[timem:s3], [sflag:s2] =	dma.local @!p0 [hbm:s0], s1  }
0x12c: {  	s0 =	simm.s32 @!p0 $0x3  }
0x12d: {  	_ =	swait.ge @!p0 [sflag:s0], s1  }
0x12e: {  	s1 =	ssub.s32 @!p0 $0x0, s1;
	[sflag:s0] =	ssyncset.done @!p0 $0x0  }
0x12f: {  	[sflag:s0] =	ssyncadd.s32 @!p0 s1  }
0x130: {  	[bflag:$0x3] =	sbarrier.arrive $0xFFFF  }
0x131: {  	_ =	shalt  }

</sc_bundles>
